<compile_context>
chip_gen: v7x
topology: tpu7x:2x2x1
jax: 0.10.2.dev20260603
libtpu: 0.0.44.dev20260713+nightly
codegen_flags: <defaults>
</compile_context>

<pallas_src>
import functools

import jax
import jax.numpy as jnp
from jax import lax
from jax.experimental import pallas as pl
from jax.experimental.pallas import tpu as pltpu
from jax.experimental.pallas import tpu_sc as plsc

NN = 10000
NE = 320000
D = 128
NG = 64

NC, NS = 2, 16
NW = NC * NS
NNP = 10240
RPT = NNP // NS
NR = NNP // D

EPT = 10240
NEP = NW * EPT
CH = 80
G = 4
GE = G * CH
NGRP = EPT // GE
EPT0 = NE // NW
DGE = 400
DGRP = EPT0 // DGE

BLK = 1024
NBLK = NNP // BLK
SUB = BLK // D

_f32 = jnp.float32
_i32 = jnp.int32

_mesh = plsc.VectorSubcoreMesh(core_axis_name="c", subcore_axis_name="s")


@functools.partial(
    pl.kernel,
    out_type=jax.ShapeDtypeStruct((NC, NNP, D), _f32),
    mesh=_mesh,
    scratch_types=[
        pltpu.VMEM((CH,), _i32),
        pltpu.VMEM((CH,), _i32),
        pltpu.VMEM((CH,), _i32),
        pltpu.VMEM((CH,), _i32),
        pltpu.VMEM((CH, D), _f32),
        pltpu.VMEM_SHARED((NNP, D), _f32),
        pltpu.SemaphoreType.DMA,
        pltpu.SemaphoreType.DMA,
    ],
)
def _sc_degree(dst_hbm, zeros_hbm, ones_hbm, out_hbm,
               d0, d1, d2, d3, ones_v, accum, isem, ssem):
    dst_bufs = [d0, d1, d2, d3]
    c = lax.axis_index("c")
    s = lax.axis_index("s")
    wid = c * NS + s
    pltpu.sync_copy(ones_hbm, ones_v)
    pltpu.sync_copy(zeros_hbm, accum.at[pl.ds(s * RPT, RPT)])
    plsc.subcore_barrier()

    def group(g, carry):
        base = wid * EPT + g * GE
        ic = [pltpu.async_copy(dst_hbm.at[pl.ds(base + b * CH, CH)],
                               dst_bufs[b], isem) for b in range(G)]
        for c_ in ic:
            c_.wait()
        sc = [pltpu.async_copy(ones_v, accum.at[dst_bufs[b]], ssem, add=True)
              for b in range(G)]
        for c_ in sc:
            c_.wait()
        return carry

    lax.fori_loop(0, NGRP, group, 0)
    plsc.subcore_barrier()
    pltpu.sync_copy(accum.at[pl.ds(s * RPT, RPT)],
                    out_hbm.at[c, pl.ds(s * RPT, RPT)])


@functools.partial(
    pl.kernel,
    out_type=jax.ShapeDtypeStruct((NC, NNP, D), _f32),
    mesh=_mesh,
    scratch_types=[
        pltpu.VMEM((CH,), _i32),
        pltpu.VMEM((CH,), _i32),
        pltpu.VMEM((CH,), _i32),
        pltpu.VMEM((CH,), _i32),
        pltpu.VMEM((CH,), _i32),
        pltpu.VMEM((CH,), _i32),
        pltpu.VMEM((CH,), _i32),
        pltpu.VMEM((CH,), _i32),
        pltpu.VMEM((CH, D), _f32),
        pltpu.VMEM((CH, D), _f32),
        pltpu.VMEM((CH, D), _f32),
        pltpu.VMEM((CH, D), _f32),
        pltpu.VMEM_SHARED((NNP, D), _f32),
        pltpu.SemaphoreType.DMA,
        pltpu.SemaphoreType.DMA,
        pltpu.SemaphoreType.DMA,
    ],
)
def _sc_agg(src_hbm, dst_hbm, u_hbm, zeros_hbm, out_hbm,
            s0, s1, s2, s3, d0, d1, d2, d3, r0, r1, r2, r3,
            accum, isem, gsem, ssem):
    src_bufs = [s0, s1, s2, s3]
    dst_bufs = [d0, d1, d2, d3]
    rows_bufs = [r0, r1, r2, r3]
    c = lax.axis_index("c")
    s = lax.axis_index("s")
    wid = c * NS + s
    pltpu.sync_copy(zeros_hbm, accum.at[pl.ds(s * RPT, RPT)])
    plsc.subcore_barrier()

    def group(g, carry):
        base = wid * EPT + g * GE
        ic = [pltpu.async_copy(src_hbm.at[pl.ds(base + b * CH, CH)],
                               src_bufs[b], isem) for b in range(G)]
        ic += [pltpu.async_copy(dst_hbm.at[pl.ds(base + b * CH, CH)],
                                dst_bufs[b], isem) for b in range(G)]
        for c_ in ic:
            c_.wait()
        gc = pltpu.async_copy(u_hbm.at[src_bufs[0]], rows_bufs[0], gsem)
        for b in range(G):
            gc.wait()
            if b + 1 < G:
                gc = pltpu.async_copy(u_hbm.at[src_bufs[b + 1]],
                                      rows_bufs[b + 1], gsem)
            pltpu.async_copy(rows_bufs[b], accum.at[dst_bufs[b]], ssem,
                             add=True).wait()
        return carry

    lax.fori_loop(0, NGRP, group, 0)
    plsc.subcore_barrier()
    pltpu.sync_copy(accum.at[pl.ds(s * RPT, RPT)],
                    out_hbm.at[c, pl.ds(s * RPT, RPT)])


def _ident128():
    a = lax.broadcasted_iota(_i32, (D, D), 0)
    b = lax.broadcasted_iota(_i32, (D, D), 1)
    return (a == b).astype(_f32)


def _tc1_body(degc_ref, x_ref, w1_ref, u1_ref, dinvb_ref):
    deg = degc_ref[0, :, 0:1] + degc_ref[1, :, 0:1] + 1.0
    dinv = lax.rsqrt(deg)
    h = jnp.dot(x_ref[...], w1_ref[...], preferred_element_type=_f32)
    u1_ref[...] = h * dinv
    dinvb_ref[...] = jnp.broadcast_to(dinv, (BLK, D))


_tc1 = pl.pallas_call(
    _tc1_body,
    grid=(NBLK,),
    in_specs=[
        pl.BlockSpec((NC, BLK, D), lambda i: (0, i, 0)),
        pl.BlockSpec((BLK, D), lambda i: (i, 0)),
        pl.BlockSpec((D, D), lambda i: (0, 0)),
    ],
    out_specs=[
        pl.BlockSpec((BLK, D), lambda i: (i, 0)),
        pl.BlockSpec((BLK, D), lambda i: (i, 0)),
    ],
    out_shape=[
        jax.ShapeDtypeStruct((NNP, D), _f32),
        jax.ShapeDtypeStruct((NNP, D), _f32),
    ],
)


def _tc2_body(aggp_ref, u1_ref, dinvb_ref, w2_ref, b1_ref, u2_ref):
    dinvb = dinvb_ref[...]
    t = aggp_ref[0] + aggp_ref[1] + u1_ref[...]
    out1 = jnp.maximum(t * dinvb + b1_ref[...], 0.0)
    h2 = jnp.dot(out1, w2_ref[...], preferred_element_type=_f32)
    u2_ref[...] = h2 * dinvb


_tc2 = pl.pallas_call(
    _tc2_body,
    grid=(NBLK,),
    in_specs=[
        pl.BlockSpec((NC, BLK, D), lambda i: (0, i, 0)),
        pl.BlockSpec((BLK, D), lambda i: (i, 0)),
        pl.BlockSpec((BLK, D), lambda i: (i, 0)),
        pl.BlockSpec((D, D), lambda i: (0, 0)),
        pl.BlockSpec((1, D), lambda i: (0, 0)),
    ],
    out_specs=pl.BlockSpec((BLK, D), lambda i: (i, 0)),
    out_shape=jax.ShapeDtypeStruct((NNP, D), _f32),
)


def _tc3_body(aggp_ref, u2_ref, dinvb_ref, b2_ref, batch_ref, out_ref,
              acc_ref, cnt_ref):
    i = pl.program_id(0)

    @pl.when(i == 0)
    def _():
        acc_ref[...] = jnp.zeros_like(acc_ref)
        cnt_ref[...] = jnp.zeros_like(cnt_ref)

    t = (aggp_ref[0] + aggp_ref[1] + u2_ref[...]) * dinvb_ref[...]
    b = batch_ref[0]
    gids = lax.broadcasted_iota(_i32, (BLK, NG), 1)
    onehot = (b == gids).astype(_f32)
    acc_ref[...] += lax.dot_general(
        onehot, t, (((0,), (0,)), ((), ())), preferred_element_type=_f32)
    cnt_ref[...] += lax.dot_general(
        onehot, jnp.ones((BLK, D), _f32), (((0,), (0,)), ((), ())),
        preferred_element_type=_f32)

    @pl.when(i == pl.num_programs(0) - 1)
    def _():
        out_ref[...] = acc_ref[...] / jnp.maximum(cnt_ref[...], 1.0) + b2_ref[...]


_tc3 = pl.pallas_call(
    _tc3_body,
    grid=(NBLK,),
    in_specs=[
        pl.BlockSpec((NC, BLK, D), lambda i: (0, i, 0)),
        pl.BlockSpec((BLK, D), lambda i: (i, 0)),
        pl.BlockSpec((BLK, D), lambda i: (i, 0)),
        pl.BlockSpec((1, D), lambda i: (0, 0)),
        pl.BlockSpec((1, BLK, 1), lambda i: (i, 0, 0)),
    ],
    out_specs=pl.BlockSpec((NG, D), lambda i: (0, 0)),
    out_shape=jax.ShapeDtypeStruct((NG, D), _f32),
    scratch_shapes=[
        pltpu.VMEM((NG, D), _f32),
        pltpu.VMEM((NG, D), _f32),
    ],
)


def kernel(x, edge_index, batch, W1, b1, W2, b2):
    npad = NEP - NE
    src = jnp.concatenate(
        [edge_index[0].astype(_i32), jnp.zeros((npad,), _i32)])
    dst = jnp.concatenate(
        [edge_index[1].astype(_i32), jnp.full((npad,), NNP - 1, _i32)])
    x_pad = jnp.concatenate([x, jnp.zeros((NNP - NN, D), _f32)])
    batch_pad = jnp.concatenate(
        [batch.astype(_i32), jnp.full((NNP - NN,), NG, _i32)])
    zrow = jnp.zeros((RPT, D), _f32)
    ones = jnp.ones((CH, D), _f32)
    batch_r = batch_pad.reshape(NBLK, BLK, 1)

    degc = _sc_degree(dst, zrow, ones)
    u1, dinvb = _tc1(degc, x_pad, W1)
    aggp1 = _sc_agg(src, dst, u1, zrow)
    u2 = _tc2(aggp1, u1, dinvb, W2, b1.reshape(1, D))
    aggp2 = _sc_agg(src, dst, u2, zrow)
    out = _tc3(aggp2, u2, dinvb, b2.reshape(1, D), batch_r)
    return out

# --- scband reference (transcript-rebuilt; emitter-appended) ---
"""Pipeline reference for scband-gcnencoder-26654567039528 (READ-ONLY COPY).

The authoritative reference and input builder live on the scoring server;
editing this copy changes nothing except your own understanding.
"""

import jax, jax.numpy as jnp
import numpy as np

N_NODES = 10000
N_EDGES = 320000
D_IN = 128
D_HID = 128
D_OUT = 128
NUM_GRAPHS = 64


def setup_inputs(seed: int = 0) -> dict:
    key = jax.random.key(seed)
    ks = jax.random.split(key, 8)
    x = jax.random.normal(ks[0], (N_NODES, D_IN), dtype=jnp.float32)
    edge_index = jax.random.randint(ks[1], (2, N_EDGES), 0, N_NODES, dtype=jnp.int64 if jax.config.jax_enable_x64 else jnp.int32)
    batch = jnp.sort(jax.random.randint(ks[2], (N_NODES,), 0, NUM_GRAPHS, dtype=jnp.int64 if jax.config.jax_enable_x64 else jnp.int32))
    # GCNConv parameters (glorot-ish init)
    W1 = jax.random.normal(ks[3], (D_IN, D_HID), dtype=jnp.float32) * (1.0 / np.sqrt(D_IN))
    b1 = jnp.zeros((D_HID,), dtype=jnp.float32)
    W2 = jax.random.normal(ks[4], (D_HID, D_OUT), dtype=jnp.float32) * (1.0 / np.sqrt(D_HID))
    b2 = jnp.zeros((D_OUT,), dtype=jnp.float32)
    return {"x": x, "edge_index": edge_index, "batch": batch, "W1": W1, "b1": b1, "W2": W2, "b2": b2}


def _gcn_conv(x, W, b, src, dst, n_nodes):
    # PyG GCNConv: x' = D^{-1/2} (A + I) D^{-1/2} (x W) + b
    h = x @ W
    loop = jnp.arange(n_nodes, dtype=src.dtype)
    src2 = jnp.concatenate([src, loop])
    dst2 = jnp.concatenate([dst, loop])
    ones = jnp.ones(src2.shape, dtype=h.dtype)
    deg = jax.ops.segment_sum(ones, dst2, num_segments=n_nodes)
    dinv = jnp.where(deg > 0, 1.0 / jnp.sqrt(deg), 0.0)
    norm = dinv[src2] * dinv[dst2]
    msg = h[src2] * norm[:, None]
    out = jax.ops.segment_sum(msg, dst2, num_segments=n_nodes)
    return out + b


def _global_mean_pool(h, batch, num_graphs):
    s = jax.ops.segment_sum(h, batch, num_segments=num_graphs)
    cnt = jax.ops.segment_sum(jnp.ones((h.shape[0],), dtype=h.dtype), batch, num_segments=num_graphs)
    cnt = jnp.maximum(cnt, 1.0)
    return s / cnt[:, None]


def reference(x, edge_index, batch, W1, b1, W2, b2):
    src = edge_index[0]
    dst = edge_index[1]
    h = _gcn_conv(x, W1, b1, src, dst, N_NODES)
    h = jax.nn.relu(h)
    h = _gcn_conv(h, W2, b2, src, dst, N_NODES)
    out = _global_mean_pool(h, batch, NUM_GRAPHS)
    return out

if __name__ == "__main__":
    import jax
    _d = setup_inputs()
    print(jax.jit(kernel)(*tuple(_d.values())))

</pallas_src>

<mosaic_0001>
#map = affine_map<(d0, d1) -> (0)>
#map1 = affine_map<(d0, d1) -> (0, 0)>
#map2 = affine_map<(d0, d1) -> (0, 0, 0)>
module attributes {stable_mosaic.version = 14 : i64} {
  func.func @_sc_degree(%arg0: i32, %arg1: i32, %arg2: memref<327680xi32, #tpu.memory_space<hbm>>, %arg3: memref<640x128xf32, #tpu.memory_space<hbm>>, %arg4: memref<80x128xf32, #tpu.memory_space<hbm>>, %arg5: memref<2x10240x128xf32, #tpu.memory_space<hbm>>, %arg6: memref<80xi32, #tpu.memory_space<vmem>>, %arg7: memref<80xi32, #tpu.memory_space<vmem>>, %arg8: memref<80xi32, #tpu.memory_space<vmem>>, %arg9: memref<80xi32, #tpu.memory_space<vmem>>, %arg10: memref<80x128xf32, #tpu.memory_space<vmem>>, %arg11: memref<10240x128xf32, #tpu.memory_space<vmem_shared>>, %arg12: memref<!tpu.dma_semaphore, #tpu.memory_space<semaphore_mem>>, %arg13: memref<!tpu.dma_semaphore, #tpu.memory_space<semaphore_mem>>) attributes {dimension_semantics = [#tpu.dimension_semantics<core_parallel>, #tpu.dimension_semantics<subcore_parallel>], iteration_bounds = array<i64: 2, 16>, scalar_prefetch = 0 : i64, scratch_operands = 8 : i64, tpu.core_type = #tpu.core_type<sc_vector_subcore>, window_params = [{transform_indices = #map}, {transform_indices = #map1}, {transform_indices = #map1}, {transform_indices = #map2}]} {
    %mul3A = arith.constant 16 : i32
    %mul3A_0 = arith.muli %arg0, %mul3A : i32
    %add3A = arith.addi %mul3A_0, %arg1 : i32
    "tpu.region"() ({
      %run_scoped3A = tpu.sem_alloc : memref<!tpu.dma_semaphore, #tpu.memory_space<semaphore_mem>>
      tpu.enqueue_dma source(%arg4 : memref<80x128xf32, #tpu.memory_space<hbm>>) target(%arg10 : memref<80x128xf32, #tpu.memory_space<vmem>>) target_semaphore(%run_scoped3A : memref<!tpu.dma_semaphore, #tpu.memory_space<semaphore_mem>>)
      tpu.wait_dma2 semaphore(%run_scoped3A : memref<!tpu.dma_semaphore, #tpu.memory_space<semaphore_mem>>) src(%arg4 : memref<80x128xf32, #tpu.memory_space<hbm>>) dst(%arg10 : memref<80x128xf32, #tpu.memory_space<vmem>>)
      tpu.yield
    }) : () -> ()
    %mul3A_1 = arith.constant 640 : i32
    %mul3A_2 = arith.muli %arg1, %mul3A_1 : i32
    "tpu.region"() ({
      %run_scoped3A = tpu.sem_alloc : memref<!tpu.dma_semaphore, #tpu.memory_space<semaphore_mem>>
      %dma_start3A = arith.constant 0 : i32
      %dma_start3A_13 = tpu.memref_slice %arg11[%mul3A_2, %dma_start3A] : memref<10240x128xf32, #tpu.memory_space<vmem_shared>> -> memref<640x128xf32, #tpu.memory_space<vmem_shared>>
      tpu.enqueue_dma source(%arg3 : memref<640x128xf32, #tpu.memory_space<hbm>>) target(%dma_start3A_13 : memref<640x128xf32, #tpu.memory_space<vmem_shared>>) target_semaphore(%run_scoped3A : memref<!tpu.dma_semaphore, #tpu.memory_space<semaphore_mem>>)
      %dma_wait3A = arith.constant 0 : i32
      %dma_wait3A_14 = tpu.memref_slice %arg11[%mul3A_2, %dma_wait3A] : memref<10240x128xf32, #tpu.memory_space<vmem_shared>> -> memref<640x128xf32, #tpu.memory_space<vmem_shared>>
      tpu.wait_dma2 semaphore(%run_scoped3A : memref<!tpu.dma_semaphore, #tpu.memory_space<semaphore_mem>>) src(%arg3 : memref<640x128xf32, #tpu.memory_space<hbm>>) dst(%dma_wait3A_14 : memref<640x128xf32, #tpu.memory_space<vmem_shared>>)
      tpu.yield
    }) : () -> ()
    %barrier3A = arith.constant 0 : index
    tpu.barrier barrier_id(%barrier3A)
    %scan3A = arith.constant 0 : i32
    %scan3A_3 = arith.constant 0 : i32
    %scan3A_4 = arith.constant 32 : i32
    %scan3A_5 = arith.addi %scan3A_3, %scan3A_4 : i32
    %scan3A_6 = arith.constant 1 : i32
    scf.for %scan3A_13 = %scan3A_3 to %scan3A_5 step %scan3A_6  : i32 {
      %mul3A_14 = arith.constant 10240 : i32
      %mul3A_15 = arith.muli %add3A, %mul3A_14 : i32
      %mul3A_16 = arith.constant 320 : i32
      %mul3A_17 = arith.muli %scan3A_13, %mul3A_16 : i32
      %add3A_18 = arith.addi %mul3A_15, %mul3A_17 : i32
      %add3A_19 = arith.constant 0 : i32
      %add3A_20 = arith.addi %add3A_18, %add3A_19 : i32
      %dma_start3A = tpu.memref_slice %arg2[%add3A_20] : memref<327680xi32, #tpu.memory_space<hbm>> -> memref<80xi32, #tpu.memory_space<hbm>>
      %dma_start3A_21 = tpu.memref_slice %arg2[%add3A_20] : memref<327680xi32, #tpu.memory_space<hbm>> -> memref<80xi32, #tpu.memory_space<hbm>>
      tpu.enqueue_dma source(%dma_start3A_21 : memref<80xi32, #tpu.memory_space<hbm>>) target(%arg6 : memref<80xi32, #tpu.memory_space<vmem>>) target_semaphore(%arg12 : memref<!tpu.dma_semaphore, #tpu.memory_space<semaphore_mem>>)
      %add3A_22 = arith.constant 80 : i32
      %add3A_23 = arith.addi %add3A_18, %add3A_22 : i32
      %dma_start3A_24 = tpu.memref_slice %arg2[%add3A_23] : memref<327680xi32, #tpu.memory_space<hbm>> -> memref<80xi32, #tpu.memory_space<hbm>>
      %dma_start3A_25 = tpu.memref_slice %arg2[%add3A_23] : memref<327680xi32, #tpu.memory_space<hbm>> -> memref<80xi32, #tpu.memory_space<hbm>>
      tpu.enqueue_dma source(%dma_start3A_25 : memref<80xi32, #tpu.memory_space<hbm>>) target(%arg7 : memref<80xi32, #tpu.memory_space<vmem>>) target_semaphore(%arg12 : memref<!tpu.dma_semaphore, #tpu.memory_space<semaphore_mem>>)
      %add3A_26 = arith.constant 160 : i32
      %add3A_27 = arith.addi %add3A_18, %add3A_26 : i32
      %dma_start3A_28 = tpu.memref_slice %arg2[%add3A_27] : memref<327680xi32, #tpu.memory_space<hbm>> -> memref<80xi32, #tpu.memory_space<hbm>>
      %dma_start3A_29 = tpu.memref_slice %arg2[%add3A_27] : memref<327680xi32, #tpu.memory_space<hbm>> -> memref<80xi32, #tpu.memory_space<hbm>>
      tpu.enqueue_dma source(%dma_start3A_29 : memref<80xi32, #tpu.memory_space<hbm>>) target(%arg8 : memref<80xi32, #tpu.memory_space<vmem>>) target_semaphore(%arg12 : memref<!tpu.dma_semaphore, #tpu.memory_space<semaphore_mem>>)
      %add3A_30 = arith.constant 240 : i32
      %add3A_31 = arith.addi %add3A_18, %add3A_30 : i32
      %dma_start3A_32 = tpu.memref_slice %arg2[%add3A_31] : memref<327680xi32, #tpu.memory_space<hbm>> -> memref<80xi32, #tpu.memory_space<hbm>>
      %dma_start3A_33 = tpu.memref_slice %arg2[%add3A_31] : memref<327680xi32, #tpu.memory_space<hbm>> -> memref<80xi32, #tpu.memory_space<hbm>>
      tpu.enqueue_dma source(%dma_start3A_33 : memref<80xi32, #tpu.memory_space<hbm>>) target(%arg9 : memref<80xi32, #tpu.memory_space<vmem>>) target_semaphore(%arg12 : memref<!tpu.dma_semaphore, #tpu.memory_space<semaphore_mem>>)
      %dma_wait3A = tpu.memref_slice %arg2[%add3A_20] : memref<327680xi32, #tpu.memory_space<hbm>> -> memref<80xi32, #tpu.memory_space<hbm>>
      %dma_wait3A_34 = tpu.memref_slice %arg2[%add3A_20] : memref<327680xi32, #tpu.memory_space<hbm>> -> memref<80xi32, #tpu.memory_space<hbm>>
      tpu.wait_dma2 semaphore(%arg12 : memref<!tpu.dma_semaphore, #tpu.memory_space<semaphore_mem>>) src(%dma_wait3A_34 : memref<80xi32, #tpu.memory_space<hbm>>) dst(%arg6 : memref<80xi32, #tpu.memory_space<vmem>>)
      %dma_wait3A_35 = tpu.memref_slice %arg2[%add3A_23] : memref<327680xi32, #tpu.memory_space<hbm>> -> memref<80xi32, #tpu.memory_space<hbm>>
      %dma_wait3A_36 = tpu.memref_slice %arg2[%add3A_23] : memref<327680xi32, #tpu.memory_space<hbm>> -> memref<80xi32, #tpu.memory_space<hbm>>
      tpu.wait_dma2 semaphore(%arg12 : memref<!tpu.dma_semaphore, #tpu.memory_space<semaphore_mem>>) src(%dma_wait3A_36 : memref<80xi32, #tpu.memory_space<hbm>>) dst(%arg7 : memref<80xi32, #tpu.memory_space<vmem>>)
      %dma_wait3A_37 = tpu.memref_slice %arg2[%add3A_27] : memref<327680xi32, #tpu.memory_space<hbm>> -> memref<80xi32, #tpu.memory_space<hbm>>
      %dma_wait3A_38 = tpu.memref_slice %arg2[%add3A_27] : memref<327680xi32, #tpu.memory_space<hbm>> -> memref<80xi32, #tpu.memory_space<hbm>>
      tpu.wait_dma2 semaphore(%arg12 : memref<!tpu.dma_semaphore, #tpu.memory_space<semaphore_mem>>) src(%dma_wait3A_38 : memref<80xi32, #tpu.memory_space<hbm>>) dst(%arg8 : memref<80xi32, #tpu.memory_space<vmem>>)
      %dma_wait3A_39 = tpu.memref_slice %arg2[%add3A_31] : memref<327680xi32, #tpu.memory_space<hbm>> -> memref<80xi32, #tpu.memory_space<hbm>>
      %dma_wait3A_40 = tpu.memref_slice %arg2[%add3A_31] : memref<327680xi32, #tpu.memory_space<hbm>> -> memref<80xi32, #tpu.memory_space<hbm>>
      tpu.wait_dma2 semaphore(%arg12 : memref<!tpu.dma_semaphore, #tpu.memory_space<semaphore_mem>>) src(%dma_wait3A_40 : memref<80xi32, #tpu.memory_space<hbm>>) dst(%arg9 : memref<80xi32, #tpu.memory_space<vmem>>)
      %dma_start3A_41 = arith.constant 0 : i32
      %dma_start3A_42 = arith.constant 0 : i32
      %dma_start3A_43 = tpu.memref_slice %arg11[%dma_start3A_41, %dma_start3A_42] : memref<10240x128xf32, #tpu.memory_space<vmem_shared>> -> memref<10240x128xf32, #tpu.memory_space<vmem_shared>>
      tpu.enqueue_indirect_dma source(%arg10 : memref<80x128xf32, #tpu.memory_space<vmem>>) target(%dma_start3A_43 : memref<10240x128xf32, #tpu.memory_space<vmem_shared>>) offsets(%arg6 : memref<80xi32, #tpu.memory_space<vmem>>) semaphore(%arg13 : memref<!tpu.dma_semaphore, #tpu.memory_space<semaphore_mem>>) {add = true}
      %dma_start3A_44 = arith.constant 0 : i32
      %dma_start3A_45 = arith.constant 0 : i32
      %dma_start3A_46 = tpu.memref_slice %arg11[%dma_start3A_44, %dma_start3A_45] : memref<10240x128xf32, #tpu.memory_space<vmem_shared>> -> memref<10240x128xf32, #tpu.memory_space<vmem_shared>>
      tpu.enqueue_indirect_dma source(%arg10 : memref<80x128xf32, #tpu.memory_space<vmem>>) target(%dma_start3A_46 : memref<10240x128xf32, #tpu.memory_space<vmem_shared>>) offsets(%arg7 : memref<80xi32, #tpu.memory_space<vmem>>) semaphore(%arg13 : memref<!tpu.dma_semaphore, #tpu.memory_space<semaphore_mem>>) {add = true}
      %dma_start3A_47 = arith.constant 0 : i32
      %dma_start3A_48 = arith.constant 0 : i32
      %dma_start3A_49 = tpu.memref_slice %arg11[%dma_start3A_47, %dma_start3A_48] : memref<10240x128xf32, #tpu.memory_space<vmem_shared>> -> memref<10240x128xf32, #tpu.memory_space<vmem_shared>>
      tpu.enqueue_indirect_dma source(%arg10 : memref<80x128xf32, #tpu.memory_space<vmem>>) target(%dma_start3A_49 : memref<10240x128xf32, #tpu.memory_space<vmem_shared>>) offsets(%arg8 : memref<80xi32, #tpu.memory_space<vmem>>) semaphore(%arg13 : memref<!tpu.dma_semaphore, #tpu.memory_space<semaphore_mem>>) {add = true}
      %dma_start3A_50 = arith.constant 0 : i32
      %dma_start3A_51 = arith.constant 0 : i32
      %dma_start3A_52 = tpu.memref_slice %arg11[%dma_start3A_50, %dma_start3A_51] : memref<10240x128xf32, #tpu.memory_space<vmem_shared>> -> memref<10240x128xf32, #tpu.memory_space<vmem_shared>>
      tpu.enqueue_indirect_dma source(%arg10 : memref<80x128xf32, #tpu.memory_space<vmem>>) target(%dma_start3A_52 : memref<10240x128xf32, #tpu.memory_space<vmem_shared>>) offsets(%arg9 : memref<80xi32, #tpu.memory_space<vmem>>) semaphore(%arg13 : memref<!tpu.dma_semaphore, #tpu.memory_space<semaphore_mem>>) {add = true}
      %dma_wait3A_53 = arith.constant 0 : i32
      %dma_wait3A_54 = arith.constant 0 : i32
      %dma_wait3A_55 = tpu.memref_slice %arg11[%dma_wait3A_53, %dma_wait3A_54] : memref<10240x128xf32, #tpu.memory_space<vmem_shared>> -> memref<10240x128xf32, #tpu.memory_space<vmem_shared>>
      tpu.wait_indirect_dma semaphore(%arg13 : memref<!tpu.dma_semaphore, #tpu.memory_space<semaphore_mem>>) src(%arg10 : memref<80x128xf32, #tpu.memory_space<vmem>>) dst(%dma_wait3A_55 : memref<10240x128xf32, #tpu.memory_space<vmem_shared>>)
      %dma_wait3A_56 = arith.constant 0 : i32
      %dma_wait3A_57 = arith.constant 0 : i32
      %dma_wait3A_58 = tpu.memref_slice %arg11[%dma_wait3A_56, %dma_wait3A_57] : memref<10240x128xf32, #tpu.memory_space<vmem_shared>> -> memref<10240x128xf32, #tpu.memory_space<vmem_shared>>
      tpu.wait_indirect_dma semaphore(%arg13 : memref<!tpu.dma_semaphore, #tpu.memory_space<semaphore_mem>>) src(%arg10 : memref<80x128xf32, #tpu.memory_space<vmem>>) dst(%dma_wait3A_58 : memref<10240x128xf32, #tpu.memory_space<vmem_shared>>)
      %dma_wait3A_59 = arith.constant 0 : i32
      %dma_wait3A_60 = arith.constant 0 : i32
      %dma_wait3A_61 = tpu.memref_slice %arg11[%dma_wait3A_59, %dma_wait3A_60] : memref<10240x128xf32, #tpu.memory_space<vmem_shared>> -> memref<10240x128xf32, #tpu.memory_space<vmem_shared>>
      tpu.wait_indirect_dma semaphore(%arg13 : memref<!tpu.dma_semaphore, #tpu.memory_space<semaphore_mem>>) src(%arg10 : memref<80x128xf32, #tpu.memory_space<vmem>>) dst(%dma_wait3A_61 : memref<10240x128xf32, #tpu.memory_space<vmem_shared>>)
      %dma_wait3A_62 = arith.constant 0 : i32
      %dma_wait3A_63 = arith.constant 0 : i32
      %dma_wait3A_64 = tpu.memref_slice %arg11[%dma_wait3A_62, %dma_wait3A_63] : memref<10240x128xf32, #tpu.memory_space<vmem_shared>> -> memref<10240x128xf32, #tpu.memory_space<vmem_shared>>
      tpu.wait_indirect_dma semaphore(%arg13 : memref<!tpu.dma_semaphore, #tpu.memory_space<semaphore_mem>>) src(%arg10 : memref<80x128xf32, #tpu.memory_space<vmem>>) dst(%dma_wait3A_64 : memref<10240x128xf32, #tpu.memory_space<vmem_shared>>)
    }
    %scan3A_7 = arith.constant 32 : i32
    %barrier3A_8 = arith.constant 0 : index
    tpu.barrier barrier_id(%barrier3A_8)
    %mul3A_9 = arith.constant 640 : i32
    %mul3A_10 = arith.muli %arg1, %mul3A_9 : i32
    %mul3A_11 = arith.constant 640 : i32
    %mul3A_12 = arith.muli %arg1, %mul3A_11 : i32
    "tpu.region"() ({
      %run_scoped3A = tpu.sem_alloc : memref<!tpu.dma_semaphore, #tpu.memory_space<semaphore_mem>>
      %dma_start3A = arith.constant 0 : i32
      %dma_start3A_13 = tpu.memref_slice %arg5[%arg0, %mul3A_12, %dma_start3A] : memref<2x10240x128xf32, #tpu.memory_space<hbm>> -> memref<1x640x128xf32, #tpu.memory_space<hbm>>
      %dma_start3A_14 = tpu.memref_squeeze %dma_start3A_13 : memref<1x640x128xf32, #tpu.memory_space<hbm>> -> memref<640x128xf32, #tpu.memory_space<hbm>>
      %dma_start3A_15 = arith.constant 0 : i32
      %dma_start3A_16 = tpu.memref_slice %arg11[%mul3A_10, %dma_start3A_15] : memref<10240x128xf32, #tpu.memory_space<vmem_shared>> -> memref<640x128xf32, #tpu.memory_space<vmem_shared>>
      tpu.enqueue_dma source(%dma_start3A_16 : memref<640x128xf32, #tpu.memory_space<vmem_shared>>) target(%dma_start3A_14 : memref<640x128xf32, #tpu.memory_space<hbm>>) target_semaphore(%run_scoped3A : memref<!tpu.dma_semaphore, #tpu.memory_space<semaphore_mem>>)
      %dma_wait3A = arith.constant 0 : i32
      %dma_wait3A_17 = tpu.memref_slice %arg5[%arg0, %mul3A_12, %dma_wait3A] : memref<2x10240x128xf32, #tpu.memory_space<hbm>> -> memref<1x640x128xf32, #tpu.memory_space<hbm>>
      %dma_wait3A_18 = tpu.memref_squeeze %dma_wait3A_17 : memref<1x640x128xf32, #tpu.memory_space<hbm>> -> memref<640x128xf32, #tpu.memory_space<hbm>>
      %dma_wait3A_19 = arith.constant 0 : i32
      %dma_wait3A_20 = tpu.memref_slice %arg11[%mul3A_10, %dma_wait3A_19] : memref<10240x128xf32, #tpu.memory_space<vmem_shared>> -> memref<640x128xf32, #tpu.memory_space<vmem_shared>>
      tpu.wait_dma2 semaphore(%run_scoped3A : memref<!tpu.dma_semaphore, #tpu.memory_space<semaphore_mem>>) src(%dma_wait3A_20 : memref<640x128xf32, #tpu.memory_space<vmem_shared>>) dst(%dma_wait3A_18 : memref<640x128xf32, #tpu.memory_space<hbm>>)
      tpu.yield
    }) : () -> ()
    return
  }
}

#map = affine_map<(d0, d1) -> (0)>
#map1 = affine_map<(d0, d1) -> (0, 0)>
#map2 = affine_map<(d0, d1) -> (0, 0, 0)>
module attributes {stable_mosaic.version = 14 : i64} {
  func.func @_sc_agg(%arg0: i32, %arg1: i32, %arg2: memref<327680xi32, #tpu.memory_space<hbm>>, %arg3: memref<327680xi32, #tpu.memory_space<hbm>>, %arg4: memref<10240x128xf32, #tpu.memory_space<hbm>>, %arg5: memref<640x128xf32, #tpu.memory_space<hbm>>, %arg6: memref<2x10240x128xf32, #tpu.memory_space<hbm>>, %arg7: memref<80xi32, #tpu.memory_space<vmem>>, %arg8: memref<80xi32, #tpu.memory_space<vmem>>, %arg9: memref<80xi32, #tpu.memory_space<vmem>>, %arg10: memref<80xi32, #tpu.memory_space<vmem>>, %arg11: memref<80xi32, #tpu.memory_space<vmem>>, %arg12: memref<80xi32, #tpu.memory_space<vmem>>, %arg13: memref<80xi32, #tpu.memory_space<vmem>>, %arg14: memref<80xi32, #tpu.memory_space<vmem>>, %arg15: memref<80x128xf32, #tpu.memory_space<vmem>>, %arg16: memref<80x128xf32, #tpu.memory_space<vmem>>, %arg17: memref<80x128xf32, #tpu.memory_space<vmem>>, %arg18: memref<80x128xf32, #tpu.memory_space<vmem>>, %arg19: memref<10240x128xf32, #tpu.memory_space<vmem_shared>>, %arg20: memref<!tpu.dma_semaphore, #tpu.memory_space<semaphore_mem>>, %arg21: memref<!tpu.dma_semaphore, #tpu.memory_space<semaphore_mem>>, %arg22: memref<!tpu.dma_semaphore, #tpu.memory_space<semaphore_mem>>) attributes {dimension_semantics = [#tpu.dimension_semantics<core_parallel>, #tpu.dimension_semantics<subcore_parallel>], iteration_bounds = array<i64: 2, 16>, scalar_prefetch = 0 : i64, scratch_operands = 16 : i64, tpu.core_type = #tpu.core_type<sc_vector_subcore>, window_params = [{transform_indices = #map}, {transform_indices = #map}, {transform_indices = #map1}, {transform_indices = #map1}, {transform_indices = #map2}]} {
    %mul3A = arith.constant 16 : i32
    %mul3A_0 = arith.muli %arg0, %mul3A : i32
    %add3A = arith.addi %mul3A_0, %arg1 : i32
    %mul3A_1 = arith.constant 640 : i32
    %mul3A_2 = arith.muli %arg1, %mul3A_1 : i32
    "tpu.region"() ({
      %run_scoped3A = tpu.sem_alloc : memref<!tpu.dma_semaphore, #tpu.memory_space<semaphore_mem>>
      %dma_start3A = arith.constant 0 : i32
      %dma_start3A_13 = tpu.memref_slice %arg19[%mul3A_2, %dma_start3A] : memref<10240x128xf32, #tpu.memory_space<vmem_shared>> -> memref<640x128xf32, #tpu.memory_space<vmem_shared>>
      tpu.enqueue_dma source(%arg5 : memref<640x128xf32, #tpu.memory_space<hbm>>) target(%dma_start3A_13 : memref<640x128xf32, #tpu.memory_space<vmem_shared>>) target_semaphore(%run_scoped3A : memref<!tpu.dma_semaphore, #tpu.memory_space<semaphore_mem>>)
      %dma_wait3A = arith.constant 0 : i32
      %dma_wait3A_14 = tpu.memref_slice %arg19[%mul3A_2, %dma_wait3A] : memref<10240x128xf32, #tpu.memory_space<vmem_shared>> -> memref<640x128xf32, #tpu.memory_space<vmem_shared>>
      tpu.wait_dma2 semaphore(%run_scoped3A : memref<!tpu.dma_semaphore, #tpu.memory_space<semaphore_mem>>) src(%arg5 : memref<640x128xf32, #tpu.memory_space<hbm>>) dst(%dma_wait3A_14 : memref<640x128xf32, #tpu.memory_space<vmem_shared>>)
      tpu.yield
    }) : () -> ()
    %barrier3A = arith.constant 0 : index
    tpu.barrier barrier_id(%barrier3A)
    %scan3A = arith.constant 0 : i32
    %scan3A_3 = arith.constant 0 : i32
    %scan3A_4 = arith.constant 32 : i32
    %scan3A_5 = arith.addi %scan3A_3, %scan3A_4 : i32
    %scan3A_6 = arith.constant 1 : i32
    scf.for %scan3A_13 = %scan3A_3 to %scan3A_5 step %scan3A_6  : i32 {
      %mul3A_14 = arith.constant 10240 : i32
      %mul3A_15 = arith.muli %add3A, %mul3A_14 : i32
      %mul3A_16 = arith.constant 320 : i32
      %mul3A_17 = arith.muli %scan3A_13, %mul3A_16 : i32
      %add3A_18 = arith.addi %mul3A_15, %mul3A_17 : i32
      %add3A_19 = arith.constant 0 : i32
      %add3A_20 = arith.addi %add3A_18, %add3A_19 : i32
      %dma_start3A = tpu.memref_slice %arg2[%add3A_20] : memref<327680xi32, #tpu.memory_space<hbm>> -> memref<80xi32, #tpu.memory_space<hbm>>
      %dma_start3A_21 = tpu.memref_slice %arg2[%add3A_20] : memref<327680xi32, #tpu.memory_space<hbm>> -> memref<80xi32, #tpu.memory_space<hbm>>
      tpu.enqueue_dma source(%dma_start3A_21 : memref<80xi32, #tpu.memory_space<hbm>>) target(%arg7 : memref<80xi32, #tpu.memory_space<vmem>>) target_semaphore(%arg20 : memref<!tpu.dma_semaphore, #tpu.memory_space<semaphore_mem>>)
      %add3A_22 = arith.constant 80 : i32
      %add3A_23 = arith.addi %add3A_18, %add3A_22 : i32
      %dma_start3A_24 = tpu.memref_slice %arg2[%add3A_23] : memref<327680xi32, #tpu.memory_space<hbm>> -> memref<80xi32, #tpu.memory_space<hbm>>
      %dma_start3A_25 = tpu.memref_slice %arg2[%add3A_23] : memref<327680xi32, #tpu.memory_space<hbm>> -> memref<80xi32, #tpu.memory_space<hbm>>
      tpu.enqueue_dma source(%dma_start3A_25 : memref<80xi32, #tpu.memory_space<hbm>>) target(%arg8 : memref<80xi32, #tpu.memory_space<vmem>>) target_semaphore(%arg20 : memref<!tpu.dma_semaphore, #tpu.memory_space<semaphore_mem>>)
      %add3A_26 = arith.constant 160 : i32
      %add3A_27 = arith.addi %add3A_18, %add3A_26 : i32
      %dma_start3A_28 = tpu.memref_slice %arg2[%add3A_27] : memref<327680xi32, #tpu.memory_space<hbm>> -> memref<80xi32, #tpu.memory_space<hbm>>
      %dma_start3A_29 = tpu.memref_slice %arg2[%add3A_27] : memref<327680xi32, #tpu.memory_space<hbm>> -> memref<80xi32, #tpu.memory_space<hbm>>
      tpu.enqueue_dma source(%dma_start3A_29 : memref<80xi32, #tpu.memory_space<hbm>>) target(%arg9 : memref<80xi32, #tpu.memory_space<vmem>>) target_semaphore(%arg20 : memref<!tpu.dma_semaphore, #tpu.memory_space<semaphore_mem>>)
      %add3A_30 = arith.constant 240 : i32
      %add3A_31 = arith.addi %add3A_18, %add3A_30 : i32
      %dma_start3A_32 = tpu.memref_slice %arg2[%add3A_31] : memref<327680xi32, #tpu.memory_space<hbm>> -> memref<80xi32, #tpu.memory_space<hbm>>
      %dma_start3A_33 = tpu.memref_slice %arg2[%add3A_31] : memref<327680xi32, #tpu.memory_space<hbm>> -> memref<80xi32, #tpu.memory_space<hbm>>
      tpu.enqueue_dma source(%dma_start3A_33 : memref<80xi32, #tpu.memory_space<hbm>>) target(%arg10 : memref<80xi32, #tpu.memory_space<vmem>>) target_semaphore(%arg20 : memref<!tpu.dma_semaphore, #tpu.memory_space<semaphore_mem>>)
      %add3A_34 = arith.constant 0 : i32
      %add3A_35 = arith.addi %add3A_18, %add3A_34 : i32
      %dma_start3A_36 = tpu.memref_slice %arg3[%add3A_35] : memref<327680xi32, #tpu.memory_space<hbm>> -> memref<80xi32, #tpu.memory_space<hbm>>
      %dma_start3A_37 = tpu.memref_slice %arg3[%add3A_35] : memref<327680xi32, #tpu.memory_space<hbm>> -> memref<80xi32, #tpu.memory_space<hbm>>
      tpu.enqueue_dma source(%dma_start3A_37 : memref<80xi32, #tpu.memory_space<hbm>>) target(%arg11 : memref<80xi32, #tpu.memory_space<vmem>>) target_semaphore(%arg20 : memref<!tpu.dma_semaphore, #tpu.memory_space<semaphore_mem>>)
      %add3A_38 = arith.constant 80 : i32
      %add3A_39 = arith.addi %add3A_18, %add3A_38 : i32
      %dma_start3A_40 = tpu.memref_slice %arg3[%add3A_39] : memref<327680xi32, #tpu.memory_space<hbm>> -> memref<80xi32, #tpu.memory_space<hbm>>
      %dma_start3A_41 = tpu.memref_slice %arg3[%add3A_39] : memref<327680xi32, #tpu.memory_space<hbm>> -> memref<80xi32, #tpu.memory_space<hbm>>
      tpu.enqueue_dma source(%dma_start3A_41 : memref<80xi32, #tpu.memory_space<hbm>>) target(%arg12 : memref<80xi32, #tpu.memory_space<vmem>>) target_semaphore(%arg20 : memref<!tpu.dma_semaphore, #tpu.memory_space<semaphore_mem>>)
      %add3A_42 = arith.constant 160 : i32
      %add3A_43 = arith.addi %add3A_18, %add3A_42 : i32
      %dma_start3A_44 = tpu.memref_slice %arg3[%add3A_43] : memref<327680xi32, #tpu.memory_space<hbm>> -> memref<80xi32, #tpu.memory_space<hbm>>
      %dma_start3A_45 = tpu.memref_slice %arg3[%add3A_43] : memref<327680xi32, #tpu.memory_space<hbm>> -> memref<80xi32, #tpu.memory_space<hbm>>
      tpu.enqueue_dma source(%dma_start3A_45 : memref<80xi32, #tpu.memory_space<hbm>>) target(%arg13 : memref<80xi32, #tpu.memory_space<vmem>>) target_semaphore(%arg20 : memref<!tpu.dma_semaphore, #tpu.memory_space<semaphore_mem>>)
      %add3A_46 = arith.constant 240 : i32
      %add3A_47 = arith.addi %add3A_18, %add3A_46 : i32
      %dma_start3A_48 = tpu.memref_slice %arg3[%add3A_47] : memref<327680xi32, #tpu.memory_space<hbm>> -> memref<80xi32, #tpu.memory_space<hbm>>
      %dma_start3A_49 = tpu.memref_slice %arg3[%add3A_47] : memref<327680xi32, #tpu.memory_space<hbm>> -> memref<80xi32, #tpu.memory_space<hbm>>
      tpu.enqueue_dma source(%dma_start3A_49 : memref<80xi32, #tpu.memory_space<hbm>>) target(%arg14 : memref<80xi32, #tpu.memory_space<vmem>>) target_semaphore(%arg20 : memref<!tpu.dma_semaphore, #tpu.memory_space<semaphore_mem>>)
      %dma_wait3A = tpu.memref_slice %arg2[%add3A_20] : memref<327680xi32, #tpu.memory_space<hbm>> -> memref<80xi32, #tpu.memory_space<hbm>>
      %dma_wait3A_50 = tpu.memref_slice %arg2[%add3A_20] : memref<327680xi32, #tpu.memory_space<hbm>> -> memref<80xi32, #tpu.memory_space<hbm>>
      tpu.wait_dma2 semaphore(%arg20 : memref<!tpu.dma_semaphore, #tpu.memory_space<semaphore_mem>>) src(%dma_wait3A_50 : memref<80xi32, #tpu.memory_space<hbm>>) dst(%arg7 : memref<80xi32, #tpu.memory_space<vmem>>)
      %dma_wait3A_51 = tpu.memref_slice %arg2[%add3A_23] : memref<327680xi32, #tpu.memory_space<hbm>> -> memref<80xi32, #tpu.memory_space<hbm>>
      %dma_wait3A_52 = tpu.memref_slice %arg2[%add3A_23] : memref<327680xi32, #tpu.memory_space<hbm>> -> memref<80xi32, #tpu.memory_space<hbm>>
      tpu.wait_dma2 semaphore(%arg20 : memref<!tpu.dma_semaphore, #tpu.memory_space<semaphore_mem>>) src(%dma_wait3A_52 : memref<80xi32, #tpu.memory_space<hbm>>) dst(%arg8 : memref<80xi32, #tpu.memory_space<vmem>>)
      %dma_wait3A_53 = tpu.memref_slice %arg2[%add3A_27] : memref<327680xi32, #tpu.memory_space<hbm>> -> memref<80xi32, #tpu.memory_space<hbm>>
      %dma_wait3A_54 = tpu.memref_slice %arg2[%add3A_27] : memref<327680xi32, #tpu.memory_space<hbm>> -> memref<80xi32, #tpu.memory_space<hbm>>
      tpu.wait_dma2 semaphore(%arg20 : memref<!tpu.dma_semaphore, #tpu.memory_space<semaphore_mem>>) src(%dma_wait3A_54 : memref<80xi32, #tpu.memory_space<hbm>>) dst(%arg9 : memref<80xi32, #tpu.memory_space<vmem>>)
      %dma_wait3A_55 = tpu.memref_slice %arg2[%add3A_31] : memref<327680xi32, #tpu.memory_space<hbm>> -> memref<80xi32, #tpu.memory_space<hbm>>
      %dma_wait3A_56 = tpu.memref_slice %arg2[%add3A_31] : memref<327680xi32, #tpu.memory_space<hbm>> -> memref<80xi32, #tpu.memory_space<hbm>>
      tpu.wait_dma2 semaphore(%arg20 : memref<!tpu.dma_semaphore, #tpu.memory_space<semaphore_mem>>) src(%dma_wait3A_56 : memref<80xi32, #tpu.memory_space<hbm>>) dst(%arg10 : memref<80xi32, #tpu.memory_space<vmem>>)
      %dma_wait3A_57 = tpu.memref_slice %arg3[%add3A_35] : memref<327680xi32, #tpu.memory_space<hbm>> -> memref<80xi32, #tpu.memory_space<hbm>>
      %dma_wait3A_58 = tpu.memref_slice %arg3[%add3A_35] : memref<327680xi32, #tpu.memory_space<hbm>> -> memref<80xi32, #tpu.memory_space<hbm>>
      tpu.wait_dma2 semaphore(%arg20 : memref<!tpu.dma_semaphore, #tpu.memory_space<semaphore_mem>>) src(%dma_wait3A_58 : memref<80xi32, #tpu.memory_space<hbm>>) dst(%arg11 : memref<80xi32, #tpu.memory_space<vmem>>)
      %dma_wait3A_59 = tpu.memref_slice %arg3[%add3A_39] : memref<327680xi32, #tpu.memory_space<hbm>> -> memref<80xi32, #tpu.memory_space<hbm>>
      %dma_wait3A_60 = tpu.memref_slice %arg3[%add3A_39] : memref<327680xi32, #tpu.memory_space<hbm>> -> memref<80xi32, #tpu.memory_space<hbm>>
      tpu.wait_dma2 semaphore(%arg20 : memref<!tpu.dma_semaphore, #tpu.memory_space<semaphore_mem>>) src(%dma_wait3A_60 : memref<80xi32, #tpu.memory_space<hbm>>) dst(%arg12 : memref<80xi32, #tpu.memory_space<vmem>>)
      %dma_wait3A_61 = tpu.memref_slice %arg3[%add3A_43] : memref<327680xi32, #tpu.memory_space<hbm>> -> memref<80xi32, #tpu.memory_space<hbm>>
      %dma_wait3A_62 = tpu.memref_slice %arg3[%add3A_43] : memref<327680xi32, #tpu.memory_space<hbm>> -> memref<80xi32, #tpu.memory_space<hbm>>
      tpu.wait_dma2 semaphore(%arg20 : memref<!tpu.dma_semaphore, #tpu.memory_space<semaphore_mem>>) src(%dma_wait3A_62 : memref<80xi32, #tpu.memory_space<hbm>>) dst(%arg13 : memref<80xi32, #tpu.memory_space<vmem>>)
      %dma_wait3A_63 = tpu.memref_slice %arg3[%add3A_47] : memref<327680xi32, #tpu.memory_space<hbm>> -> memref<80xi32, #tpu.memory_space<hbm>>
      %dma_wait3A_64 = tpu.memref_slice %arg3[%add3A_47] : memref<327680xi32, #tpu.memory_space<hbm>> -> memref<80xi32, #tpu.memory_space<hbm>>
      tpu.wait_dma2 semaphore(%arg20 : memref<!tpu.dma_semaphore, #tpu.memory_space<semaphore_mem>>) src(%dma_wait3A_64 : memref<80xi32, #tpu.memory_space<hbm>>) dst(%arg14 : memref<80xi32, #tpu.memory_space<vmem>>)
      %dma_start3A_65 = arith.constant 0 : i32
      %dma_start3A_66 = arith.constant 0 : i32
      %dma_start3A_67 = tpu.memref_slice %arg4[%dma_start3A_65, %dma_start3A_66] : memref<10240x128xf32, #tpu.memory_space<hbm>> -> memref<10240x128xf32, #tpu.memory_space<hbm>>
      tpu.enqueue_indirect_dma source(%dma_start3A_67 : memref<10240x128xf32, #tpu.memory_space<hbm>>) target(%arg15 : memref<80x128xf32, #tpu.memory_space<vmem>>) offsets(%arg7 : memref<80xi32, #tpu.memory_space<vmem>>) semaphore(%arg21 : memref<!tpu.dma_semaphore, #tpu.memory_space<semaphore_mem>>)
      %dma_wait3A_68 = arith.constant 0 : i32
      %dma_wait3A_69 = arith.constant 0 : i32
      %dma_wait3A_70 = tpu.memref_slice %arg4[%dma_wait3A_68, %dma_wait3A_69] : memref<10240x128xf32, #tpu.memory_space<hbm>> -> memref<10240x128xf32, #tpu.memory_space<hbm>>
      tpu.wait_indirect_dma semaphore(%arg21 : memref<!tpu.dma_semaphore, #tpu.memory_space<semaphore_mem>>) src(%dma_wait3A_70 : memref<10240x128xf32, #tpu.memory_space<hbm>>) dst(%arg15 : memref<80x128xf32, #tpu.memory_space<vmem>>)
      %dma_start3A_71 = arith.constant 0 : i32
      %dma_start3A_72 = arith.constant 0 : i32
      %dma_start3A_73 = tpu.memref_slice %arg4[%dma_start3A_71, %dma_start3A_72] : memref<10240x128xf32, #tpu.memory_space<hbm>> -> memref<10240x128xf32, #tpu.memory_space<hbm>>
      tpu.enqueue_indirect_dma source(%dma_start3A_73 : memref<10240x128xf32, #tpu.memory_space<hbm>>) target(%arg16 : memref<80x128xf32, #tpu.memory_space<vmem>>) offsets(%arg8 : memref<80xi32, #tpu.memory_space<vmem>>) semaphore(%arg21 : memref<!tpu.dma_semaphore, #tpu.memory_space<semaphore_mem>>)
      %dma_start3A_74 = arith.constant 0 : i32
      %dma_start3A_75 = arith.constant 0 : i32
      %dma_start3A_76 = tpu.memref_slice %arg19[%dma_start3A_74, %dma_start3A_75] : memref<10240x128xf32, #tpu.memory_space<vmem_shared>> -> memref<10240x128xf32, #tpu.memory_space<vmem_shared>>
      tpu.enqueue_indirect_dma source(%arg15 : memref<80x128xf32, #tpu.memory_space<vmem>>) target(%dma_start3A_76 : memref<10240x128xf32, #tpu.memory_space<vmem_shared>>) offsets(%arg11 : memref<80xi32, #tpu.memory_space<vmem>>) semaphore(%arg22 : memref<!tpu.dma_semaphore, #tpu.memory_space<semaphore_mem>>) {add = true}
      %dma_wait3A_77 = arith.constant 0 : i32
      %dma_wait3A_78 = arith.constant 0 : i32
      %dma_wait3A_79 = tpu.memref_slice %arg19[%dma_wait3A_77, %dma_wait3A_78] : memref<10240x128xf32, #tpu.memory_space<vmem_shared>> -> memref<10240x128xf32, #tpu.memory_space<vmem_shared>>
      tpu.wait_indirect_dma semaphore(%arg22 : memref<!tpu.dma_semaphore, #tpu.memory_space<semaphore_mem>>) src(%arg15 : memref<80x128xf32, #tpu.memory_space<vmem>>) dst(%dma_wait3A_79 : memref<10240x128xf32, #tpu.memory_space<vmem_shared>>)
      %dma_wait3A_80 = arith.constant 0 : i32
      %dma_wait3A_81 = arith.constant 0 : i32
      %dma_wait3A_82 = tpu.memref_slice %arg4[%dma_wait3A_80, %dma_wait3A_81] : memref<10240x128xf32, #tpu.memory_space<hbm>> -> memref<10240x128xf32, #tpu.memory_space<hbm>>
      tpu.wait_indirect_dma semaphore(%arg21 : memref<!tpu.dma_semaphore, #tpu.memory_space<semaphore_mem>>) src(%dma_wait3A_82 : memref<10240x128xf32, #tpu.memory_space<hbm>>) dst(%arg16 : memref<80x128xf32, #tpu.memory_space<vmem>>)
      %dma_start3A_83 = arith.constant 0 : i32
      %dma_start3A_84 = arith.constant 0 : i32
      %dma_start3A_85 = tpu.memref_slice %arg4[%dma_start3A_83, %dma_start3A_84] : memref<10240x128xf32, #tpu.memory_space<hbm>> -> memref<10240x128xf32, #tpu.memory_space<hbm>>
      tpu.enqueue_indirect_dma source(%dma_start3A_85 : memref<10240x128xf32, #tpu.memory_space<hbm>>) target(%arg17 : memref<80x128xf32, #tpu.memory_space<vmem>>) offsets(%arg9 : memref<80xi32, #tpu.memory_space<vmem>>) semaphore(%arg21 : memref<!tpu.dma_semaphore, #tpu.memory_space<semaphore_mem>>)
      %dma_start3A_86 = arith.constant 0 : i32
      %dma_start3A_87 = arith.constant 0 : i32
      %dma_start3A_88 = tpu.memref_slice %arg19[%dma_start3A_86, %dma_start3A_87] : memref<10240x128xf32, #tpu.memory_space<vmem_shared>> -> memref<10240x128xf32, #tpu.memory_space<vmem_shared>>
      tpu.enqueue_indirect_dma source(%arg16 : memref<80x128xf32, #tpu.memory_space<vmem>>) target(%dma_start3A_88 : memref<10240x128xf32, #tpu.memory_space<vmem_shared>>) offsets(%arg12 : memref<80xi32, #tpu.memory_space<vmem>>) semaphore(%arg22 : memref<!tpu.dma_semaphore, #tpu.memory_space<semaphore_mem>>) {add = true}
      %dma_wait3A_89 = arith.constant 0 : i32
      %dma_wait3A_90 = arith.constant 0 : i32
      %dma_wait3A_91 = tpu.memref_slice %arg19[%dma_wait3A_89, %dma_wait3A_90] : memref<10240x128xf32, #tpu.memory_space<vmem_shared>> -> memref<10240x128xf32, #tpu.memory_space<vmem_shared>>
      tpu.wait_indirect_dma semaphore(%arg22 : memref<!tpu.dma_semaphore, #tpu.memory_space<semaphore_mem>>) src(%arg16 : memref<80x128xf32, #tpu.memory_space<vmem>>) dst(%dma_wait3A_91 : memref<10240x128xf32, #tpu.memory_space<vmem_shared>>)
      %dma_wait3A_92 = arith.constant 0 : i32
      %dma_wait3A_93 = arith.constant 0 : i32
      %dma_wait3A_94 = tpu.memref_slice %arg4[%dma_wait3A_92, %dma_wait3A_93] : memref<10240x128xf32, #tpu.memory_space<hbm>> -> memref<10240x128xf32, #tpu.memory_space<hbm>>
      tpu.wait_indirect_dma semaphore(%arg21 : memref<!tpu.dma_semaphore, #tpu.memory_space<semaphore_mem>>) src(%dma_wait3A_94 : memref<10240x128xf32, #tpu.memory_space<hbm>>) dst(%arg17 : memref<80x128xf32, #tpu.memory_space<vmem>>)
      %dma_start3A_95 = arith.constant 0 : i32
      %dma_start3A_96 = arith.constant 0 : i32
      %dma_start3A_97 = tpu.memref_slice %arg4[%dma_start3A_95, %dma_start3A_96] : memref<10240x128xf32, #tpu.memory_space<hbm>> -> memref<10240x128xf32, #tpu.memory_space<hbm>>
      tpu.enqueue_indirect_dma source(%dma_start3A_97 : memref<10240x128xf32, #tpu.memory_space<hbm>>) target(%arg18 : memref<80x128xf32, #tpu.memory_space<vmem>>) offsets(%arg10 : memref<80xi32, #tpu.memory_space<vmem>>) semaphore(%arg21 : memref<!tpu.dma_semaphore, #tpu.memory_space<semaphore_mem>>)
      %dma_start3A_98 = arith.constant 0 : i32
      %dma_start3A_99 = arith.constant 0 : i32
      %dma_start3A_100 = tpu.memref_slice %arg19[%dma_start3A_98, %dma_start3A_99] : memref<10240x128xf32, #tpu.memory_space<vmem_shared>> -> memref<10240x128xf32, #tpu.memory_space<vmem_shared>>
      tpu.enqueue_indirect_dma source(%arg17 : memref<80x128xf32, #tpu.memory_space<vmem>>) target(%dma_start3A_100 : memref<10240x128xf32, #tpu.memory_space<vmem_shared>>) offsets(%arg13 : memref<80xi32, #tpu.memory_space<vmem>>) semaphore(%arg22 : memref<!tpu.dma_semaphore, #tpu.memory_space<semaphore_mem>>) {add = true}
      %dma_wait3A_101 = arith.constant 0 : i32
      %dma_wait3A_102 = arith.constant 0 : i32
      %dma_wait3A_103 = tpu.memref_slice %arg19[%dma_wait3A_101, %dma_wait3A_102] : memref<10240x128xf32, #tpu.memory_space<vmem_shared>> -> memref<10240x128xf32, #tpu.memory_space<vmem_shared>>
      tpu.wait_indirect_dma semaphore(%arg22 : memref<!tpu.dma_semaphore, #tpu.memory_space<semaphore_mem>>) src(%arg17 : memref<80x128xf32, #tpu.memory_space<vmem>>) dst(%dma_wait3A_103 : memref<10240x128xf32, #tpu.memory_space<vmem_shared>>)
      %dma_wait3A_104 = arith.constant 0 : i32
      %dma_wait3A_105 = arith.constant 0 : i32
      %dma_wait3A_106 = tpu.memref_slice %arg4[%dma_wait3A_104, %dma_wait3A_105] : memref<10240x128xf32, #tpu.memory_space<hbm>> -> memref<10240x128xf32, #tpu.memory_space<hbm>>
      tpu.wait_indirect_dma semaphore(%arg21 : memref<!tpu.dma_semaphore, #tpu.memory_space<semaphore_mem>>) src(%dma_wait3A_106 : memref<10240x128xf32, #tpu.memory_space<hbm>>) dst(%arg18 : memref<80x128xf32, #tpu.memory_space<vmem>>)
      %dma_start3A_107 = arith.constant 0 : i32
      %dma_start3A_108 = arith.constant 0 : i32
      %dma_start3A_109 = tpu.memref_slice %arg19[%dma_start3A_107, %dma_start3A_108] : memref<10240x128xf32, #tpu.memory_space<vmem_shared>> -> memref<10240x128xf32, #tpu.memory_space<vmem_shared>>
      tpu.enqueue_indirect_dma source(%arg18 : memref<80x128xf32, #tpu.memory_space<vmem>>) target(%dma_start3A_109 : memref<10240x128xf32, #tpu.memory_space<vmem_shared>>) offsets(%arg14 : memref<80xi32, #tpu.memory_space<vmem>>) semaphore(%arg22 : memref<!tpu.dma_semaphore, #tpu.memory_space<semaphore_mem>>) {add = true}
      %dma_wait3A_110 = arith.constant 0 : i32
      %dma_wait3A_111 = arith.constant 0 : i32
      %dma_wait3A_112 = tpu.memref_slice %arg19[%dma_wait3A_110, %dma_wait3A_111] : memref<10240x128xf32, #tpu.memory_space<vmem_shared>> -> memref<10240x128xf32, #tpu.memory_space<vmem_shared>>
      tpu.wait_indirect_dma semaphore(%arg22 : memref<!tpu.dma_semaphore, #tpu.memory_space<semaphore_mem>>) src(%arg18 : memref<80x128xf32, #tpu.memory_space<vmem>>) dst(%dma_wait3A_112 : memref<10240x128xf32, #tpu.memory_space<vmem_shared>>)
    }
    %scan3A_7 = arith.constant 32 : i32
    %barrier3A_8 = arith.constant 0 : index
    tpu.barrier barrier_id(%barrier3A_8)
    %mul3A_9 = arith.constant 640 : i32
    %mul3A_10 = arith.muli %arg1, %mul3A_9 : i32
    %mul3A_11 = arith.constant 640 : i32
    %mul3A_12 = arith.muli %arg1, %mul3A_11 : i32
    "tpu.region"() ({
      %run_scoped3A = tpu.sem_alloc : memref<!tpu.dma_semaphore, #tpu.memory_space<semaphore_mem>>
      %dma_start3A = arith.constant 0 : i32
      %dma_start3A_13 = tpu.memref_slice %arg6[%arg0, %mul3A_12, %dma_start3A] : memref<2x10240x128xf32, #tpu.memory_space<hbm>> -> memref<1x640x128xf32, #tpu.memory_space<hbm>>
      %dma_start3A_14 = tpu.memref_squeeze %dma_start3A_13 : memref<1x640x128xf32, #tpu.memory_space<hbm>> -> memref<640x128xf32, #tpu.memory_space<hbm>>
      %dma_start3A_15 = arith.constant 0 : i32
      %dma_start3A_16 = tpu.memref_slice %arg19[%mul3A_10, %dma_start3A_15] : memref<10240x128xf32, #tpu.memory_space<vmem_shared>> -> memref<640x128xf32, #tpu.memory_space<vmem_shared>>
      tpu.enqueue_dma source(%dma_start3A_16 : memref<640x128xf32, #tpu.memory_space<vmem_shared>>) target(%dma_start3A_14 : memref<640x128xf32, #tpu.memory_space<hbm>>) target_semaphore(%run_scoped3A : memref<!tpu.dma_semaphore, #tpu.memory_space<semaphore_mem>>)
      %dma_wait3A = arith.constant 0 : i32
      %dma_wait3A_17 = tpu.memref_slice %arg6[%arg0, %mul3A_12, %dma_wait3A] : memref<2x10240x128xf32, #tpu.memory_space<hbm>> -> memref<1x640x128xf32, #tpu.memory_space<hbm>>
      %dma_wait3A_18 = tpu.memref_squeeze %dma_wait3A_17 : memref<1x640x128xf32, #tpu.memory_space<hbm>> -> memref<640x128xf32, #tpu.memory_space<hbm>>
      %dma_wait3A_19 = arith.constant 0 : i32
      %dma_wait3A_20 = tpu.memref_slice %arg19[%mul3A_10, %dma_wait3A_19] : memref<10240x128xf32, #tpu.memory_space<vmem_shared>> -> memref<640x128xf32, #tpu.memory_space<vmem_shared>>
      tpu.wait_dma2 semaphore(%run_scoped3A : memref<!tpu.dma_semaphore, #tpu.memory_space<semaphore_mem>>) src(%dma_wait3A_20 : memref<640x128xf32, #tpu.memory_space<vmem_shared>>) dst(%dma_wait3A_18 : memref<640x128xf32, #tpu.memory_space<hbm>>)
      tpu.yield
    }) : () -> ()
    return
  }
}

#map = affine_map<(d0, d1) -> (0)>
#map1 = affine_map<(d0, d1) -> (0, 0)>
#map2 = affine_map<(d0, d1) -> (0, 0, 0)>
module attributes {stable_mosaic.version = 14 : i64} {
  func.func @_sc_agg(%arg0: i32, %arg1: i32, %arg2: memref<327680xi32, #tpu.memory_space<hbm>>, %arg3: memref<327680xi32, #tpu.memory_space<hbm>>, %arg4: memref<10240x128xf32, #tpu.memory_space<hbm>>, %arg5: memref<640x128xf32, #tpu.memory_space<hbm>>, %arg6: memref<2x10240x128xf32, #tpu.memory_space<hbm>>, %arg7: memref<80xi32, #tpu.memory_space<vmem>>, %arg8: memref<80xi32, #tpu.memory_space<vmem>>, %arg9: memref<80xi32, #tpu.memory_space<vmem>>, %arg10: memref<80xi32, #tpu.memory_space<vmem>>, %arg11: memref<80xi32, #tpu.memory_space<vmem>>, %arg12: memref<80xi32, #tpu.memory_space<vmem>>, %arg13: memref<80xi32, #tpu.memory_space<vmem>>, %arg14: memref<80xi32, #tpu.memory_space<vmem>>, %arg15: memref<80x128xf32, #tpu.memory_space<vmem>>, %arg16: memref<80x128xf32, #tpu.memory_space<vmem>>, %arg17: memref<80x128xf32, #tpu.memory_space<vmem>>, %arg18: memref<80x128xf32, #tpu.memory_space<vmem>>, %arg19: memref<10240x128xf32, #tpu.memory_space<vmem_shared>>, %arg20: memref<!tpu.dma_semaphore, #tpu.memory_space<semaphore_mem>>, %arg21: memref<!tpu.dma_semaphore, #tpu.memory_space<semaphore_mem>>, %arg22: memref<!tpu.dma_semaphore, #tpu.memory_space<semaphore_mem>>) attributes {dimension_semantics = [#tpu.dimension_semantics<core_parallel>, #tpu.dimension_semantics<subcore_parallel>], iteration_bounds = array<i64: 2, 16>, scalar_prefetch = 0 : i64, scratch_operands = 16 : i64, tpu.core_type = #tpu.core_type<sc_vector_subcore>, window_params = [{transform_indices = #map}, {transform_indices = #map}, {transform_indices = #map1}, {transform_indices = #map1}, {transform_indices = #map2}]} {
    %mul3A = arith.constant 16 : i32
    %mul3A_0 = arith.muli %arg0, %mul3A : i32
    %add3A = arith.addi %mul3A_0, %arg1 : i32
    %mul3A_1 = arith.constant 640 : i32
    %mul3A_2 = arith.muli %arg1, %mul3A_1 : i32
    "tpu.region"() ({
      %run_scoped3A = tpu.sem_alloc : memref<!tpu.dma_semaphore, #tpu.memory_space<semaphore_mem>>
      %dma_start3A = arith.constant 0 : i32
      %dma_start3A_13 = tpu.memref_slice %arg19[%mul3A_2, %dma_start3A] : memref<10240x128xf32, #tpu.memory_space<vmem_shared>> -> memref<640x128xf32, #tpu.memory_space<vmem_shared>>
      tpu.enqueue_dma source(%arg5 : memref<640x128xf32, #tpu.memory_space<hbm>>) target(%dma_start3A_13 : memref<640x128xf32, #tpu.memory_space<vmem_shared>>) target_semaphore(%run_scoped3A : memref<!tpu.dma_semaphore, #tpu.memory_space<semaphore_mem>>)
      %dma_wait3A = arith.constant 0 : i32
      %dma_wait3A_14 = tpu.memref_slice %arg19[%mul3A_2, %dma_wait3A] : memref<10240x128xf32, #tpu.memory_space<vmem_shared>> -> memref<640x128xf32, #tpu.memory_space<vmem_shared>>
      tpu.wait_dma2 semaphore(%run_scoped3A : memref<!tpu.dma_semaphore, #tpu.memory_space<semaphore_mem>>) src(%arg5 : memref<640x128xf32, #tpu.memory_space<hbm>>) dst(%dma_wait3A_14 : memref<640x128xf32, #tpu.memory_space<vmem_shared>>)
      tpu.yield
    }) : () -> ()
    %barrier3A = arith.constant 0 : index
    tpu.barrier barrier_id(%barrier3A)
    %scan3A = arith.constant 0 : i32
    %scan3A_3 = arith.constant 0 : i32
    %scan3A_4 = arith.constant 32 : i32
    %scan3A_5 = arith.addi %scan3A_3, %scan3A_4 : i32
    %scan3A_6 = arith.constant 1 : i32
    scf.for %scan3A_13 = %scan3A_3 to %scan3A_5 step %scan3A_6  : i32 {
      %mul3A_14 = arith.constant 10240 : i32
      %mul3A_15 = arith.muli %add3A, %mul3A_14 : i32
      %mul3A_16 = arith.constant 320 : i32
      %mul3A_17 = arith.muli %scan3A_13, %mul3A_16 : i32
      %add3A_18 = arith.addi %mul3A_15, %mul3A_17 : i32
      %add3A_19 = arith.constant 0 : i32
      %add3A_20 = arith.addi %add3A_18, %add3A_19 : i32
      %dma_start3A = tpu.memref_slice %arg2[%add3A_20] : memref<327680xi32, #tpu.memory_space<hbm>> -> memref<80xi32, #tpu.memory_space<hbm>>
      %dma_start3A_21 = tpu.memref_slice %arg2[%add3A_20] : memref<327680xi32, #tpu.memory_space<hbm>> -> memref<80xi32, #tpu.memory_space<hbm>>
      tpu.enqueue_dma source(%dma_start3A_21 : memref<80xi32, #tpu.memory_space<hbm>>) target(%arg7 : memref<80xi32, #tpu.memory_space<vmem>>) target_semaphore(%arg20 : memref<!tpu.dma_semaphore, #tpu.memory_space<semaphore_mem>>)
      %add3A_22 = arith.constant 80 : i32
      %add3A_23 = arith.addi %add3A_18, %add3A_22 : i32
      %dma_start3A_24 = tpu.memref_slice %arg2[%add3A_23] : memref<327680xi32, #tpu.memory_space<hbm>> -> memref<80xi32, #tpu.memory_space<hbm>>
      %dma_start3A_25 = tpu.memref_slice %arg2[%add3A_23] : memref<327680xi32, #tpu.memory_space<hbm>> -> memref<80xi32, #tpu.memory_space<hbm>>
      tpu.enqueue_dma source(%dma_start3A_25 : memref<80xi32, #tpu.memory_space<hbm>>) target(%arg8 : memref<80xi32, #tpu.memory_space<vmem>>) target_semaphore(%arg20 : memref<!tpu.dma_semaphore, #tpu.memory_space<semaphore_mem>>)
      %add3A_26 = arith.constant 160 : i32
      %add3A_27 = arith.addi %add3A_18, %add3A_26 : i32
      %dma_start3A_28 = tpu.memref_slice %arg2[%add3A_27] : memref<327680xi32, #tpu.memory_space<hbm>> -> memref<80xi32, #tpu.memory_space<hbm>>
      %dma_start3A_29 = tpu.memref_slice %arg2[%add3A_27] : memref<327680xi32, #tpu.memory_space<hbm>> -> memref<80xi32, #tpu.memory_space<hbm>>
      tpu.enqueue_dma source(%dma_start3A_29 : memref<80xi32, #tpu.memory_space<hbm>>) target(%arg9 : memref<80xi32, #tpu.memory_space<vmem>>) target_semaphore(%arg20 : memref<!tpu.dma_semaphore, #tpu.memory_space<semaphore_mem>>)
      %add3A_30 = arith.constant 240 : i32
      %add3A_31 = arith.addi %add3A_18, %add3A_30 : i32
      %dma_start3A_32 = tpu.memref_slice %arg2[%add3A_31] : memref<327680xi32, #tpu.memory_space<hbm>> -> memref<80xi32, #tpu.memory_space<hbm>>
      %dma_start3A_33 = tpu.memref_slice %arg2[%add3A_31] : memref<327680xi32, #tpu.memory_space<hbm>> -> memref<80xi32, #tpu.memory_space<hbm>>
      tpu.enqueue_dma source(%dma_start3A_33 : memref<80xi32, #tpu.memory_space<hbm>>) target(%arg10 : memref<80xi32, #tpu.memory_space<vmem>>) target_semaphore(%arg20 : memref<!tpu.dma_semaphore, #tpu.memory_space<semaphore_mem>>)
      %add3A_34 = arith.constant 0 : i32
      %add3A_35 = arith.addi %add3A_18, %add3A_34 : i32
      %dma_start3A_36 = tpu.memref_slice %arg3[%add3A_35] : memref<327680xi32, #tpu.memory_space<hbm>> -> memref<80xi32, #tpu.memory_space<hbm>>
      %dma_start3A_37 = tpu.memref_slice %arg3[%add3A_35] : memref<327680xi32, #tpu.memory_space<hbm>> -> memref<80xi32, #tpu.memory_space<hbm>>
      tpu.enqueue_dma source(%dma_start3A_37 : memref<80xi32, #tpu.memory_space<hbm>>) target(%arg11 : memref<80xi32, #tpu.memory_space<vmem>>) target_semaphore(%arg20 : memref<!tpu.dma_semaphore, #tpu.memory_space<semaphore_mem>>)
      %add3A_38 = arith.constant 80 : i32
      %add3A_39 = arith.addi %add3A_18, %add3A_38 : i32
      %dma_start3A_40 = tpu.memref_slice %arg3[%add3A_39] : memref<327680xi32, #tpu.memory_space<hbm>> -> memref<80xi32, #tpu.memory_space<hbm>>
      %dma_start3A_41 = tpu.memref_slice %arg3[%add3A_39] : memref<327680xi32, #tpu.memory_space<hbm>> -> memref<80xi32, #tpu.memory_space<hbm>>
      tpu.enqueue_dma source(%dma_start3A_41 : memref<80xi32, #tpu.memory_space<hbm>>) target(%arg12 : memref<80xi32, #tpu.memory_space<vmem>>) target_semaphore(%arg20 : memref<!tpu.dma_semaphore, #tpu.memory_space<semaphore_mem>>)
      %add3A_42 = arith.constant 160 : i32
      %add3A_43 = arith.addi %add3A_18, %add3A_42 : i32
      %dma_start3A_44 = tpu.memref_slice %arg3[%add3A_43] : memref<327680xi32, #tpu.memory_space<hbm>> -> memref<80xi32, #tpu.memory_space<hbm>>
      %dma_start3A_45 = tpu.memref_slice %arg3[%add3A_43] : memref<327680xi32, #tpu.memory_space<hbm>> -> memref<80xi32, #tpu.memory_space<hbm>>
      tpu.enqueue_dma source(%dma_start3A_45 : memref<80xi32, #tpu.memory_space<hbm>>) target(%arg13 : memref<80xi32, #tpu.memory_space<vmem>>) target_semaphore(%arg20 : memref<!tpu.dma_semaphore, #tpu.memory_space<semaphore_mem>>)
      %add3A_46 = arith.constant 240 : i32
      %add3A_47 = arith.addi %add3A_18, %add3A_46 : i32
      %dma_start3A_48 = tpu.memref_slice %arg3[%add3A_47] : memref<327680xi32, #tpu.memory_space<hbm>> -> memref<80xi32, #tpu.memory_space<hbm>>
      %dma_start3A_49 = tpu.memref_slice %arg3[%add3A_47] : memref<327680xi32, #tpu.memory_space<hbm>> -> memref<80xi32, #tpu.memory_space<hbm>>
      tpu.enqueue_dma source(%dma_start3A_49 : memref<80xi32, #tpu.memory_space<hbm>>) target(%arg14 : memref<80xi32, #tpu.memory_space<vmem>>) target_semaphore(%arg20 : memref<!tpu.dma_semaphore, #tpu.memory_space<semaphore_mem>>)
      %dma_wait3A = tpu.memref_slice %arg2[%add3A_20] : memref<327680xi32, #tpu.memory_space<hbm>> -> memref<80xi32, #tpu.memory_space<hbm>>
      %dma_wait3A_50 = tpu.memref_slice %arg2[%add3A_20] : memref<327680xi32, #tpu.memory_space<hbm>> -> memref<80xi32, #tpu.memory_space<hbm>>
      tpu.wait_dma2 semaphore(%arg20 : memref<!tpu.dma_semaphore, #tpu.memory_space<semaphore_mem>>) src(%dma_wait3A_50 : memref<80xi32, #tpu.memory_space<hbm>>) dst(%arg7 : memref<80xi32, #tpu.memory_space<vmem>>)
      %dma_wait3A_51 = tpu.memref_slice %arg2[%add3A_23] : memref<327680xi32, #tpu.memory_space<hbm>> -> memref<80xi32, #tpu.memory_space<hbm>>
      %dma_wait3A_52 = tpu.memref_slice %arg2[%add3A_23] : memref<327680xi32, #tpu.memory_space<hbm>> -> memref<80xi32, #tpu.memory_space<hbm>>
      tpu.wait_dma2 semaphore(%arg20 : memref<!tpu.dma_semaphore, #tpu.memory_space<semaphore_mem>>) src(%dma_wait3A_52 : memref<80xi32, #tpu.memory_space<hbm>>) dst(%arg8 : memref<80xi32, #tpu.memory_space<vmem>>)
      %dma_wait3A_53 = tpu.memref_slice %arg2[%add3A_27] : memref<327680xi32, #tpu.memory_space<hbm>> -> memref<80xi32, #tpu.memory_space<hbm>>
      %dma_wait3A_54 = tpu.memref_slice %arg2[%add3A_27] : memref<327680xi32, #tpu.memory_space<hbm>> -> memref<80xi32, #tpu.memory_space<hbm>>
      tpu.wait_dma2 semaphore(%arg20 : memref<!tpu.dma_semaphore, #tpu.memory_space<semaphore_mem>>) src(%dma_wait3A_54 : memref<80xi32, #tpu.memory_space<hbm>>) dst(%arg9 : memref<80xi32, #tpu.memory_space<vmem>>)
      %dma_wait3A_55 = tpu.memref_slice %arg2[%add3A_31] : memref<327680xi32, #tpu.memory_space<hbm>> -> memref<80xi32, #tpu.memory_space<hbm>>
      %dma_wait3A_56 = tpu.memref_slice %arg2[%add3A_31] : memref<327680xi32, #tpu.memory_space<hbm>> -> memref<80xi32, #tpu.memory_space<hbm>>
      tpu.wait_dma2 semaphore(%arg20 : memref<!tpu.dma_semaphore, #tpu.memory_space<semaphore_mem>>) src(%dma_wait3A_56 : memref<80xi32, #tpu.memory_space<hbm>>) dst(%arg10 : memref<80xi32, #tpu.memory_space<vmem>>)
      %dma_wait3A_57 = tpu.memref_slice %arg3[%add3A_35] : memref<327680xi32, #tpu.memory_space<hbm>> -> memref<80xi32, #tpu.memory_space<hbm>>
      %dma_wait3A_58 = tpu.memref_slice %arg3[%add3A_35] : memref<327680xi32, #tpu.memory_space<hbm>> -> memref<80xi32, #tpu.memory_space<hbm>>
      tpu.wait_dma2 semaphore(%arg20 : memref<!tpu.dma_semaphore, #tpu.memory_space<semaphore_mem>>) src(%dma_wait3A_58 : memref<80xi32, #tpu.memory_space<hbm>>) dst(%arg11 : memref<80xi32, #tpu.memory_space<vmem>>)
      %dma_wait3A_59 = tpu.memref_slice %arg3[%add3A_39] : memref<327680xi32, #tpu.memory_space<hbm>> -> memref<80xi32, #tpu.memory_space<hbm>>
      %dma_wait3A_60 = tpu.memref_slice %arg3[%add3A_39] : memref<327680xi32, #tpu.memory_space<hbm>> -> memref<80xi32, #tpu.memory_space<hbm>>
      tpu.wait_dma2 semaphore(%arg20 : memref<!tpu.dma_semaphore, #tpu.memory_space<semaphore_mem>>) src(%dma_wait3A_60 : memref<80xi32, #tpu.memory_space<hbm>>) dst(%arg12 : memref<80xi32, #tpu.memory_space<vmem>>)
      %dma_wait3A_61 = tpu.memref_slice %arg3[%add3A_43] : memref<327680xi32, #tpu.memory_space<hbm>> -> memref<80xi32, #tpu.memory_space<hbm>>
      %dma_wait3A_62 = tpu.memref_slice %arg3[%add3A_43] : memref<327680xi32, #tpu.memory_space<hbm>> -> memref<80xi32, #tpu.memory_space<hbm>>
      tpu.wait_dma2 semaphore(%arg20 : memref<!tpu.dma_semaphore, #tpu.memory_space<semaphore_mem>>) src(%dma_wait3A_62 : memref<80xi32, #tpu.memory_space<hbm>>) dst(%arg13 : memref<80xi32, #tpu.memory_space<vmem>>)
      %dma_wait3A_63 = tpu.memref_slice %arg3[%add3A_47] : memref<327680xi32, #tpu.memory_space<hbm>> -> memref<80xi32, #tpu.memory_space<hbm>>
      %dma_wait3A_64 = tpu.memref_slice %arg3[%add3A_47] : memref<327680xi32, #tpu.memory_space<hbm>> -> memref<80xi32, #tpu.memory_space<hbm>>
      tpu.wait_dma2 semaphore(%arg20 : memref<!tpu.dma_semaphore, #tpu.memory_space<semaphore_mem>>) src(%dma_wait3A_64 : memref<80xi32, #tpu.memory_space<hbm>>) dst(%arg14 : memref<80xi32, #tpu.memory_space<vmem>>)
      %dma_start3A_65 = arith.constant 0 : i32
      %dma_start3A_66 = arith.constant 0 : i32
      %dma_start3A_67 = tpu.memref_slice %arg4[%dma_start3A_65, %dma_start3A_66] : memref<10240x128xf32, #tpu.memory_space<hbm>> -> memref<10240x128xf32, #tpu.memory_space<hbm>>
      tpu.enqueue_indirect_dma source(%dma_start3A_67 : memref<10240x128xf32, #tpu.memory_space<hbm>>) target(%arg15 : memref<80x128xf32, #tpu.memory_space<vmem>>) offsets(%arg7 : memref<80xi32, #tpu.memory_space<vmem>>) semaphore(%arg21 : memref<!tpu.dma_semaphore, #tpu.memory_space<semaphore_mem>>)
      %dma_wait3A_68 = arith.constant 0 : i32
      %dma_wait3A_69 = arith.constant 0 : i32
      %dma_wait3A_70 = tpu.memref_slice %arg4[%dma_wait3A_68, %dma_wait3A_69] : memref<10240x128xf32, #tpu.memory_space<hbm>> -> memref<10240x128xf32, #tpu.memory_space<hbm>>
      tpu.wait_indirect_dma semaphore(%arg21 : memref<!tpu.dma_semaphore, #tpu.memory_space<semaphore_mem>>) src(%dma_wait3A_70 : memref<10240x128xf32, #tpu.memory_space<hbm>>) dst(%arg15 : memref<80x128xf32, #tpu.memory_space<vmem>>)
      %dma_start3A_71 = arith.constant 0 : i32
      %dma_start3A_72 = arith.constant 0 : i32
      %dma_start3A_73 = tpu.memref_slice %arg4[%dma_start3A_71, %dma_start3A_72] : memref<10240x128xf32, #tpu.memory_space<hbm>> -> memref<10240x128xf32, #tpu.memory_space<hbm>>
      tpu.enqueue_indirect_dma source(%dma_start3A_73 : memref<10240x128xf32, #tpu.memory_space<hbm>>) target(%arg16 : memref<80x128xf32, #tpu.memory_space<vmem>>) offsets(%arg8 : memref<80xi32, #tpu.memory_space<vmem>>) semaphore(%arg21 : memref<!tpu.dma_semaphore, #tpu.memory_space<semaphore_mem>>)
      %dma_start3A_74 = arith.constant 0 : i32
      %dma_start3A_75 = arith.constant 0 : i32
      %dma_start3A_76 = tpu.memref_slice %arg19[%dma_start3A_74, %dma_start3A_75] : memref<10240x128xf32, #tpu.memory_space<vmem_shared>> -> memref<10240x128xf32, #tpu.memory_space<vmem_shared>>
      tpu.enqueue_indirect_dma source(%arg15 : memref<80x128xf32, #tpu.memory_space<vmem>>) target(%dma_start3A_76 : memref<10240x128xf32, #tpu.memory_space<vmem_shared>>) offsets(%arg11 : memref<80xi32, #tpu.memory_space<vmem>>) semaphore(%arg22 : memref<!tpu.dma_semaphore, #tpu.memory_space<semaphore_mem>>) {add = true}
      %dma_wait3A_77 = arith.constant 0 : i32
      %dma_wait3A_78 = arith.constant 0 : i32
      %dma_wait3A_79 = tpu.memref_slice %arg19[%dma_wait3A_77, %dma_wait3A_78] : memref<10240x128xf32, #tpu.memory_space<vmem_shared>> -> memref<10240x128xf32, #tpu.memory_space<vmem_shared>>
      tpu.wait_indirect_dma semaphore(%arg22 : memref<!tpu.dma_semaphore, #tpu.memory_space<semaphore_mem>>) src(%arg15 : memref<80x128xf32, #tpu.memory_space<vmem>>) dst(%dma_wait3A_79 : memref<10240x128xf32, #tpu.memory_space<vmem_shared>>)
      %dma_wait3A_80 = arith.constant 0 : i32
      %dma_wait3A_81 = arith.constant 0 : i32
      %dma_wait3A_82 = tpu.memref_slice %arg4[%dma_wait3A_80, %dma_wait3A_81] : memref<10240x128xf32, #tpu.memory_space<hbm>> -> memref<10240x128xf32, #tpu.memory_space<hbm>>
      tpu.wait_indirect_dma semaphore(%arg21 : memref<!tpu.dma_semaphore, #tpu.memory_space<semaphore_mem>>) src(%dma_wait3A_82 : memref<10240x128xf32, #tpu.memory_space<hbm>>) dst(%arg16 : memref<80x128xf32, #tpu.memory_space<vmem>>)
      %dma_start3A_83 = arith.constant 0 : i32
      %dma_start3A_84 = arith.constant 0 : i32
      %dma_start3A_85 = tpu.memref_slice %arg4[%dma_start3A_83, %dma_start3A_84] : memref<10240x128xf32, #tpu.memory_space<hbm>> -> memref<10240x128xf32, #tpu.memory_space<hbm>>
      tpu.enqueue_indirect_dma source(%dma_start3A_85 : memref<10240x128xf32, #tpu.memory_space<hbm>>) target(%arg17 : memref<80x128xf32, #tpu.memory_space<vmem>>) offsets(%arg9 : memref<80xi32, #tpu.memory_space<vmem>>) semaphore(%arg21 : memref<!tpu.dma_semaphore, #tpu.memory_space<semaphore_mem>>)
      %dma_start3A_86 = arith.constant 0 : i32
      %dma_start3A_87 = arith.constant 0 : i32
      %dma_start3A_88 = tpu.memref_slice %arg19[%dma_start3A_86, %dma_start3A_87] : memref<10240x128xf32, #tpu.memory_space<vmem_shared>> -> memref<10240x128xf32, #tpu.memory_space<vmem_shared>>
      tpu.enqueue_indirect_dma source(%arg16 : memref<80x128xf32, #tpu.memory_space<vmem>>) target(%dma_start3A_88 : memref<10240x128xf32, #tpu.memory_space<vmem_shared>>) offsets(%arg12 : memref<80xi32, #tpu.memory_space<vmem>>) semaphore(%arg22 : memref<!tpu.dma_semaphore, #tpu.memory_space<semaphore_mem>>) {add = true}
      %dma_wait3A_89 = arith.constant 0 : i32
      %dma_wait3A_90 = arith.constant 0 : i32
      %dma_wait3A_91 = tpu.memref_slice %arg19[%dma_wait3A_89, %dma_wait3A_90] : memref<10240x128xf32, #tpu.memory_space<vmem_shared>> -> memref<10240x128xf32, #tpu.memory_space<vmem_shared>>
      tpu.wait_indirect_dma semaphore(%arg22 : memref<!tpu.dma_semaphore, #tpu.memory_space<semaphore_mem>>) src(%arg16 : memref<80x128xf32, #tpu.memory_space<vmem>>) dst(%dma_wait3A_91 : memref<10240x128xf32, #tpu.memory_space<vmem_shared>>)
      %dma_wait3A_92 = arith.constant 0 : i32
      %dma_wait3A_93 = arith.constant 0 : i32
      %dma_wait3A_94 = tpu.memref_slice %arg4[%dma_wait3A_92, %dma_wait3A_93] : memref<10240x128xf32, #tpu.memory_space<hbm>> -> memref<10240x128xf32, #tpu.memory_space<hbm>>
      tpu.wait_indirect_dma semaphore(%arg21 : memref<!tpu.dma_semaphore, #tpu.memory_space<semaphore_mem>>) src(%dma_wait3A_94 : memref<10240x128xf32, #tpu.memory_space<hbm>>) dst(%arg17 : memref<80x128xf32, #tpu.memory_space<vmem>>)
      %dma_start3A_95 = arith.constant 0 : i32
      %dma_start3A_96 = arith.constant 0 : i32
      %dma_start3A_97 = tpu.memref_slice %arg4[%dma_start3A_95, %dma_start3A_96] : memref<10240x128xf32, #tpu.memory_space<hbm>> -> memref<10240x128xf32, #tpu.memory_space<hbm>>
      tpu.enqueue_indirect_dma source(%dma_start3A_97 : memref<10240x128xf32, #tpu.memory_space<hbm>>) target(%arg18 : memref<80x128xf32, #tpu.memory_space<vmem>>) offsets(%arg10 : memref<80xi32, #tpu.memory_space<vmem>>) semaphore(%arg21 : memref<!tpu.dma_semaphore, #tpu.memory_space<semaphore_mem>>)
      %dma_start3A_98 = arith.constant 0 : i32
      %dma_start3A_99 = arith.constant 0 : i32
      %dma_start3A_100 = tpu.memref_slice %arg19[%dma_start3A_98, %dma_start3A_99] : memref<10240x128xf32, #tpu.memory_space<vmem_shared>> -> memref<10240x128xf32, #tpu.memory_space<vmem_shared>>
      tpu.enqueue_indirect_dma source(%arg17 : memref<80x128xf32, #tpu.memory_space<vmem>>) target(%dma_start3A_100 : memref<10240x128xf32, #tpu.memory_space<vmem_shared>>) offsets(%arg13 : memref<80xi32, #tpu.memory_space<vmem>>) semaphore(%arg22 : memref<!tpu.dma_semaphore, #tpu.memory_space<semaphore_mem>>) {add = true}
      %dma_wait3A_101 = arith.constant 0 : i32
      %dma_wait3A_102 = arith.constant 0 : i32
      %dma_wait3A_103 = tpu.memref_slice %arg19[%dma_wait3A_101, %dma_wait3A_102] : memref<10240x128xf32, #tpu.memory_space<vmem_shared>> -> memref<10240x128xf32, #tpu.memory_space<vmem_shared>>
      tpu.wait_indirect_dma semaphore(%arg22 : memref<!tpu.dma_semaphore, #tpu.memory_space<semaphore_mem>>) src(%arg17 : memref<80x128xf32, #tpu.memory_space<vmem>>) dst(%dma_wait3A_103 : memref<10240x128xf32, #tpu.memory_space<vmem_shared>>)
      %dma_wait3A_104 = arith.constant 0 : i32
      %dma_wait3A_105 = arith.constant 0 : i32
      %dma_wait3A_106 = tpu.memref_slice %arg4[%dma_wait3A_104, %dma_wait3A_105] : memref<10240x128xf32, #tpu.memory_space<hbm>> -> memref<10240x128xf32, #tpu.memory_space<hbm>>
      tpu.wait_indirect_dma semaphore(%arg21 : memref<!tpu.dma_semaphore, #tpu.memory_space<semaphore_mem>>) src(%dma_wait3A_106 : memref<10240x128xf32, #tpu.memory_space<hbm>>) dst(%arg18 : memref<80x128xf32, #tpu.memory_space<vmem>>)
      %dma_start3A_107 = arith.constant 0 : i32
      %dma_start3A_108 = arith.constant 0 : i32
      %dma_start3A_109 = tpu.memref_slice %arg19[%dma_start3A_107, %dma_start3A_108] : memref<10240x128xf32, #tpu.memory_space<vmem_shared>> -> memref<10240x128xf32, #tpu.memory_space<vmem_shared>>
      tpu.enqueue_indirect_dma source(%arg18 : memref<80x128xf32, #tpu.memory_space<vmem>>) target(%dma_start3A_109 : memref<10240x128xf32, #tpu.memory_space<vmem_shared>>) offsets(%arg14 : memref<80xi32, #tpu.memory_space<vmem>>) semaphore(%arg22 : memref<!tpu.dma_semaphore, #tpu.memory_space<semaphore_mem>>) {add = true}
      %dma_wait3A_110 = arith.constant 0 : i32
      %dma_wait3A_111 = arith.constant 0 : i32
      %dma_wait3A_112 = tpu.memref_slice %arg19[%dma_wait3A_110, %dma_wait3A_111] : memref<10240x128xf32, #tpu.memory_space<vmem_shared>> -> memref<10240x128xf32, #tpu.memory_space<vmem_shared>>
      tpu.wait_indirect_dma semaphore(%arg22 : memref<!tpu.dma_semaphore, #tpu.memory_space<semaphore_mem>>) src(%arg18 : memref<80x128xf32, #tpu.memory_space<vmem>>) dst(%dma_wait3A_112 : memref<10240x128xf32, #tpu.memory_space<vmem_shared>>)
    }
    %scan3A_7 = arith.constant 32 : i32
    %barrier3A_8 = arith.constant 0 : index
    tpu.barrier barrier_id(%barrier3A_8)
    %mul3A_9 = arith.constant 640 : i32
    %mul3A_10 = arith.muli %arg1, %mul3A_9 : i32
    %mul3A_11 = arith.constant 640 : i32
    %mul3A_12 = arith.muli %arg1, %mul3A_11 : i32
    "tpu.region"() ({
      %run_scoped3A = tpu.sem_alloc : memref<!tpu.dma_semaphore, #tpu.memory_space<semaphore_mem>>
      %dma_start3A = arith.constant 0 : i32
      %dma_start3A_13 = tpu.memref_slice %arg6[%arg0, %mul3A_12, %dma_start3A] : memref<2x10240x128xf32, #tpu.memory_space<hbm>> -> memref<1x640x128xf32, #tpu.memory_space<hbm>>
      %dma_start3A_14 = tpu.memref_squeeze %dma_start3A_13 : memref<1x640x128xf32, #tpu.memory_space<hbm>> -> memref<640x128xf32, #tpu.memory_space<hbm>>
      %dma_start3A_15 = arith.constant 0 : i32
      %dma_start3A_16 = tpu.memref_slice %arg19[%mul3A_10, %dma_start3A_15] : memref<10240x128xf32, #tpu.memory_space<vmem_shared>> -> memref<640x128xf32, #tpu.memory_space<vmem_shared>>
      tpu.enqueue_dma source(%dma_start3A_16 : memref<640x128xf32, #tpu.memory_space<vmem_shared>>) target(%dma_start3A_14 : memref<640x128xf32, #tpu.memory_space<hbm>>) target_semaphore(%run_scoped3A : memref<!tpu.dma_semaphore, #tpu.memory_space<semaphore_mem>>)
      %dma_wait3A = arith.constant 0 : i32
      %dma_wait3A_17 = tpu.memref_slice %arg6[%arg0, %mul3A_12, %dma_wait3A] : memref<2x10240x128xf32, #tpu.memory_space<hbm>> -> memref<1x640x128xf32, #tpu.memory_space<hbm>>
      %dma_wait3A_18 = tpu.memref_squeeze %dma_wait3A_17 : memref<1x640x128xf32, #tpu.memory_space<hbm>> -> memref<640x128xf32, #tpu.memory_space<hbm>>
      %dma_wait3A_19 = arith.constant 0 : i32
      %dma_wait3A_20 = tpu.memref_slice %arg19[%mul3A_10, %dma_wait3A_19] : memref<10240x128xf32, #tpu.memory_space<vmem_shared>> -> memref<640x128xf32, #tpu.memory_space<vmem_shared>>
      tpu.wait_dma2 semaphore(%run_scoped3A : memref<!tpu.dma_semaphore, #tpu.memory_space<semaphore_mem>>) src(%dma_wait3A_20 : memref<640x128xf32, #tpu.memory_space<vmem_shared>>) dst(%dma_wait3A_18 : memref<640x128xf32, #tpu.memory_space<hbm>>)
      tpu.yield
    }) : () -> ()
    return
  }
}

module attributes {stable_mosaic.version = 14 : i64} {
  func.func @_tc1_body(%arg0: i32, %arg1: memref<2x1024x128xf32, #tpu.memory_space<vmem>>, %arg2: memref<1024x128xf32, #tpu.memory_space<vmem>>, %arg3: memref<128x128xf32, #tpu.memory_space<vmem>>, %arg4: memref<1024x128xf32, #tpu.memory_space<vmem>>, %arg5: memref<1024x128xf32, #tpu.memory_space<vmem>>) attributes {dimension_semantics = [#tpu.dimension_semantics<arbitrary>], iteration_bounds = array<i64: 10>, scalar_prefetch = 0 : i64, scratch_operands = 0 : i64, tpu.core_type = #tpu.core_type<tc>, window_params = [{transform_indices = @transform_0, window_bounds = array<i64: 2, 1024, 128>}, {transform_indices = @transform_1, window_bounds = array<i64: 1024, 128>}, {pipeline_mode = #tpu.pipeline_mode<synchronous>, transform_indices = @transform_2, window_bounds = array<i64: 128, 128>}, {transform_indices = @transform_3, window_bounds = array<i64: 1024, 128>}, {transform_indices = @transform_4, window_bounds = array<i64: 1024, 128>}]} {
    %get3A = arith.constant 0 : index
    %get3A_0 = arith.constant 0 : index
    %get3A_1 = arith.constant 0 : index
    %get3A_2 = vector.load %arg1[%get3A, %get3A_0, %get3A_1] : memref<2x1024x128xf32, #tpu.memory_space<vmem>>, vector<1x1024x1xf32>
    %get3A_3 = vector.shape_cast %get3A_2 : vector<1x1024x1xf32> to vector<1024x1xf32>
    %get3A_4 = arith.constant 1 : index
    %get3A_5 = arith.constant 0 : index
    %get3A_6 = arith.constant 0 : index
    %get3A_7 = vector.load %arg1[%get3A_4, %get3A_5, %get3A_6] : memref<2x1024x128xf32, #tpu.memory_space<vmem>>, vector<1x1024x1xf32>
    %get3A_8 = vector.shape_cast %get3A_7 : vector<1x1024x1xf32> to vector<1024x1xf32>
    %add3A = arith.addf %get3A_3, %get3A_8 : vector<1024x1xf32>
    %add3A_9 = arith.constant 1.000000e+00 : f32
    %add3A_10 = vector.broadcast %add3A_9 : f32 to vector<1024x1xf32>
    %add3A_11 = arith.addf %add3A, %add3A_10 : vector<1024x1xf32>
    %rsqrt3A = math.rsqrt %add3A_11 : vector<1024x1xf32>
    %get3A_12 = arith.constant 0 : index
    %get3A_13 = arith.constant 0 : index
    %get3A_14 = vector.load %arg2[%get3A_12, %get3A_13] : memref<1024x128xf32, #tpu.memory_space<vmem>>, vector<1024x128xf32>
    %get3A_15 = arith.constant 0 : index
    %get3A_16 = arith.constant 0 : index
    %get3A_17 = vector.load %arg3[%get3A_15, %get3A_16] : memref<128x128xf32, #tpu.memory_space<vmem>>, vector<128x128xf32>
    %dot_general3A = arith.constant dense<0.000000e+00> : vector<1024x128xf32>
    %dot_general3A_18 = tpu.matmul %get3A_14, %get3A_17, %dot_general3A {dimension_numbers = #tpu.dot_dimension_numbers<[1], [0], [0], [1], [0, 0, 1, 1], [], []>, transpose_lhs_hint = false} : vector<1024x128xf32>, vector<128x128xf32>, vector<1024x128xf32> -> vector<1024x128xf32>
    %mul3A = vector.broadcast %rsqrt3A : vector<1024x1xf32> to vector<1024x128xf32>
    %mul3A_19 = arith.mulf %dot_general3A_18, %mul3A : vector<1024x128xf32>
    %swap3A = arith.constant 0 : index
    %swap3A_20 = arith.constant 0 : index
    %swap3A_21 = vector.load %arg4[%swap3A, %swap3A_20] : memref<1024x128xf32, #tpu.memory_space<vmem>>, vector<1024x128xf32>
    tpu.vector_store %arg4[%swap3A, %swap3A_20], %mul3A_19 {strides = array<i32>} : memref<1024x128xf32, #tpu.memory_space<vmem>>, vector<1024x128xf32>,
    %broadcast_in_dim3A = vector.shape_cast %rsqrt3A : vector<1024x1xf32> to vector<1024x1xf32>
    %broadcast_in_dim3A_22 = vector.broadcast %broadcast_in_dim3A : vector<1024x1xf32> to vector<1024x128xf32>
    %swap3A_23 = arith.constant 0 : index
    %swap3A_24 = arith.constant 0 : index
    %swap3A_25 = vector.load %arg5[%swap3A_23, %swap3A_24] : memref<1024x128xf32, #tpu.memory_space<vmem>>, vector<1024x128xf32>
    tpu.vector_store %arg5[%swap3A_23, %swap3A_24], %broadcast_in_dim3A_22 {strides = array<i32>} : memref<1024x128xf32, #tpu.memory_space<vmem>>, vector<1024x128xf32>,
    return
  }
  func.func @transform_0(%arg0: i32) -> (i32, i32, i32) {
    %c0_i32 = arith.constant 0 : i32
    %c0_i32_0 = arith.constant 0 : i32
    %c0_i32_1 = arith.constant 0 : i32
    return %c0_i32, %arg0, %c0_i32_0 : i32, i32, i32
  }
  func.func @transform_1(%arg0: i32) -> (i32, i32) {
    %c0_i32 = arith.constant 0 : i32
    %c0_i32_0 = arith.constant 0 : i32
    return %arg0, %c0_i32 : i32, i32
  }
  func.func @transform_2(%arg0: i32) -> (i32, i32) {
    %c0_i32 = arith.constant 0 : i32
    %c0_i32_0 = arith.constant 0 : i32
    %c0_i32_1 = arith.constant 0 : i32
    return %c0_i32, %c0_i32_0 : i32, i32
  }
  func.func @transform_3(%arg0: i32) -> (i32, i32) {
    %c0_i32 = arith.constant 0 : i32
    %c0_i32_0 = arith.constant 0 : i32
    return %arg0, %c0_i32 : i32, i32
  }
  func.func @transform_4(%arg0: i32) -> (i32, i32) {
    %c0_i32 = arith.constant 0 : i32
    %c0_i32_0 = arith.constant 0 : i32
    return %arg0, %c0_i32 : i32, i32
  }
}

module attributes {stable_mosaic.version = 14 : i64} {
  func.func @_tc2_body(%arg0: i32, %arg1: memref<2x1024x128xf32, #tpu.memory_space<vmem>>, %arg2: memref<1024x128xf32, #tpu.memory_space<vmem>>, %arg3: memref<1024x128xf32, #tpu.memory_space<vmem>>, %arg4: memref<128x128xf32, #tpu.memory_space<vmem>>, %arg5: memref<1x128xf32, #tpu.memory_space<vmem>>, %arg6: memref<1024x128xf32, #tpu.memory_space<vmem>>) attributes {dimension_semantics = [#tpu.dimension_semantics<arbitrary>], iteration_bounds = array<i64: 10>, scalar_prefetch = 0 : i64, scratch_operands = 0 : i64, tpu.core_type = #tpu.core_type<tc>, window_params = [{transform_indices = @transform_0, window_bounds = array<i64: 2, 1024, 128>}, {transform_indices = @transform_1, window_bounds = array<i64: 1024, 128>}, {transform_indices = @transform_2, window_bounds = array<i64: 1024, 128>}, {pipeline_mode = #tpu.pipeline_mode<synchronous>, transform_indices = @transform_3, window_bounds = array<i64: 128, 128>}, {pipeline_mode = #tpu.pipeline_mode<synchronous>, transform_indices = @transform_4, window_bounds = array<i64: 1, 128>}, {transform_indices = @transform_5, window_bounds = array<i64: 1024, 128>}]} {
    %get3A = arith.constant 0 : index
    %get3A_0 = arith.constant 0 : index
    %get3A_1 = vector.load %arg3[%get3A, %get3A_0] : memref<1024x128xf32, #tpu.memory_space<vmem>>, vector<1024x128xf32>
    %get3A_2 = arith.constant 0 : index
    %get3A_3 = arith.constant 0 : index
    %get3A_4 = arith.constant 0 : index
    %get3A_5 = vector.load %arg1[%get3A_2, %get3A_3, %get3A_4] : memref<2x1024x128xf32, #tpu.memory_space<vmem>>, vector<1x1024x128xf32>
    %get3A_6 = vector.shape_cast %get3A_5 : vector<1x1024x128xf32> to vector<1024x128xf32>
    %get3A_7 = arith.constant 1 : index
    %get3A_8 = arith.constant 0 : index
    %get3A_9 = arith.constant 0 : index
    %get3A_10 = vector.load %arg1[%get3A_7, %get3A_8, %get3A_9] : memref<2x1024x128xf32, #tpu.memory_space<vmem>>, vector<1x1024x128xf32>
    %get3A_11 = vector.shape_cast %get3A_10 : vector<1x1024x128xf32> to vector<1024x128xf32>
    %add3A = arith.addf %get3A_6, %get3A_11 : vector<1024x128xf32>
    %get3A_12 = arith.constant 0 : index
    %get3A_13 = arith.constant 0 : index
    %get3A_14 = vector.load %arg2[%get3A_12, %get3A_13] : memref<1024x128xf32, #tpu.memory_space<vmem>>, vector<1024x128xf32>
    %add3A_15 = arith.addf %add3A, %get3A_14 : vector<1024x128xf32>
    %mul3A = arith.mulf %add3A_15, %get3A_1 : vector<1024x128xf32>
    %get3A_16 = arith.constant 0 : index
    %get3A_17 = arith.constant 0 : index
    %get3A_18 = vector.load %arg5[%get3A_16, %get3A_17] : memref<1x128xf32, #tpu.memory_space<vmem>>, vector<1x128xf32>
    %add3A_19 = vector.broadcast %get3A_18 : vector<1x128xf32> to vector<1024x128xf32>
    %add3A_20 = arith.addf %mul3A, %add3A_19 : vector<1024x128xf32>
    %max3A = arith.constant 0.000000e+00 : f32
    %max3A_21 = vector.broadcast %max3A : f32 to vector<1024x128xf32>
    %max3A_22 = arith.maximumf %add3A_20, %max3A_21 : vector<1024x128xf32>
    %get3A_23 = arith.constant 0 : index
    %get3A_24 = arith.constant 0 : index
    %get3A_25 = vector.load %arg4[%get3A_23, %get3A_24] : memref<128x128xf32, #tpu.memory_space<vmem>>, vector<128x128xf32>
    %dot_general3A = arith.constant dense<0.000000e+00> : vector<1024x128xf32>
    %dot_general3A_26 = tpu.matmul %max3A_22, %get3A_25, %dot_general3A {dimension_numbers = #tpu.dot_dimension_numbers<[1], [0], [0], [1], [0, 0, 1, 1], [], []>, transpose_lhs_hint = false} : vector<1024x128xf32>, vector<128x128xf32>, vector<1024x128xf32> -> vector<1024x128xf32>
    %mul3A_27 = arith.mulf %dot_general3A_26, %get3A_1 : vector<1024x128xf32>
    %swap3A = arith.constant 0 : index
    %swap3A_28 = arith.constant 0 : index
    %swap3A_29 = vector.load %arg6[%swap3A, %swap3A_28] : memref<1024x128xf32, #tpu.memory_space<vmem>>, vector<1024x128xf32>
    tpu.vector_store %arg6[%swap3A, %swap3A_28], %mul3A_27 {strides = array<i32>} : memref<1024x128xf32, #tpu.memory_space<vmem>>, vector<1024x128xf32>,
    return
  }
  func.func @transform_0(%arg0: i32) -> (i32, i32, i32) {
    %c0_i32 = arith.constant 0 : i32
    %c0_i32_0 = arith.constant 0 : i32
    %c0_i32_1 = arith.constant 0 : i32
    return %c0_i32, %arg0, %c0_i32_0 : i32, i32, i32
  }
  func.func @transform_1(%arg0: i32) -> (i32, i32) {
    %c0_i32 = arith.constant 0 : i32
    %c0_i32_0 = arith.constant 0 : i32
    return %arg0, %c0_i32 : i32, i32
  }
  func.func @transform_2(%arg0: i32) -> (i32, i32) {
    %c0_i32 = arith.constant 0 : i32
    %c0_i32_0 = arith.constant 0 : i32
    return %arg0, %c0_i32 : i32, i32
  }
  func.func @transform_3(%arg0: i32) -> (i32, i32) {
    %c0_i32 = arith.constant 0 : i32
    %c0_i32_0 = arith.constant 0 : i32
    %c0_i32_1 = arith.constant 0 : i32
    return %c0_i32, %c0_i32_0 : i32, i32
  }
  func.func @transform_4(%arg0: i32) -> (i32, i32) {
    %c0_i32 = arith.constant 0 : i32
    %c0_i32_0 = arith.constant 0 : i32
    %c0_i32_1 = arith.constant 0 : i32
    return %c0_i32, %c0_i32_0 : i32, i32
  }
  func.func @transform_5(%arg0: i32) -> (i32, i32) {
    %c0_i32 = arith.constant 0 : i32
    %c0_i32_0 = arith.constant 0 : i32
    return %arg0, %c0_i32 : i32, i32
  }
}

module attributes {stable_mosaic.version = 14 : i64} {
  func.func @_tc3_body(%arg0: i32, %arg1: memref<2x1024x128xf32, #tpu.memory_space<vmem>>, %arg2: memref<1024x128xf32, #tpu.memory_space<vmem>>, %arg3: memref<1024x128xf32, #tpu.memory_space<vmem>>, %arg4: memref<1x128xf32, #tpu.memory_space<vmem>>, %arg5: memref<1x1024x1xi32, #tpu.memory_space<vmem>>, %arg6: memref<64x128xf32, #tpu.memory_space<vmem>>, %arg7: memref<64x128xf32, #tpu.memory_space<vmem>>, %arg8: memref<64x128xf32, #tpu.memory_space<vmem>>) attributes {dimension_semantics = [#tpu.dimension_semantics<arbitrary>], iteration_bounds = array<i64: 10>, scalar_prefetch = 0 : i64, scratch_operands = 2 : i64, tpu.core_type = #tpu.core_type<tc>, window_params = [{transform_indices = @transform_0, window_bounds = array<i64: 2, 1024, 128>}, {transform_indices = @transform_1, window_bounds = array<i64: 1024, 128>}, {transform_indices = @transform_2, window_bounds = array<i64: 1024, 128>}, {pipeline_mode = #tpu.pipeline_mode<synchronous>, transform_indices = @transform_3, window_bounds = array<i64: 1, 128>}, {transform_indices = @transform_4, window_bounds = array<i64: 1, 1024, 1>}, {pipeline_mode = #tpu.pipeline_mode<synchronous>, transform_indices = @transform_5, window_bounds = array<i64: 64, 128>}]} {
    %eq3A = arith.constant 0 : i32
    %eq3A_0 = arith.cmpi eq, %arg0, %eq3A : i32
    %convert_element_type3A = arith.extui %eq3A_0 : i1 to i32
    %cond3A = arith.constant 0 : i32
    %cond3A_1 = arith.cmpi ne, %convert_element_type3A, %cond3A : i32
    scf.if %cond3A_1 {
      %broadcast_in_dim3A_49 = arith.constant 0.000000e+00 : f32
      %broadcast_in_dim3A_50 = vector.broadcast %broadcast_in_dim3A_49 : f32 to vector<64x128xf32>
      %swap3A_51 = arith.constant 0 : index
      %swap3A_52 = arith.constant 0 : index
      %swap3A_53 = vector.load %arg7[%swap3A_51, %swap3A_52] : memref<64x128xf32, #tpu.memory_space<vmem>>, vector<64x128xf32>
      tpu.vector_store %arg7[%swap3A_51, %swap3A_52], %broadcast_in_dim3A_50 {strides = array<i32>} : memref<64x128xf32, #tpu.memory_space<vmem>>, vector<64x128xf32>,
      %broadcast_in_dim3A_54 = arith.constant 0.000000e+00 : f32
      %broadcast_in_dim3A_55 = vector.broadcast %broadcast_in_dim3A_54 : f32 to vector<64x128xf32>
      %swap3A_56 = arith.constant 0 : index
      %swap3A_57 = arith.constant 0 : index
      %swap3A_58 = vector.load %arg8[%swap3A_56, %swap3A_57] : memref<64x128xf32, #tpu.memory_space<vmem>>, vector<64x128xf32>
      tpu.vector_store %arg8[%swap3A_56, %swap3A_57], %broadcast_in_dim3A_55 {strides = array<i32>} : memref<64x128xf32, #tpu.memory_space<vmem>>, vector<64x128xf32>,
    } else {
    }
    %get3A = arith.constant 0 : index
    %get3A_2 = arith.constant 0 : index
    %get3A_3 = arith.constant 0 : index
    %get3A_4 = vector.load %arg1[%get3A, %get3A_2, %get3A_3] : memref<2x1024x128xf32, #tpu.memory_space<vmem>>, vector<1x1024x128xf32>
    %get3A_5 = vector.shape_cast %get3A_4 : vector<1x1024x128xf32> to vector<1024x128xf32>
    %get3A_6 = arith.constant 1 : index
    %get3A_7 = arith.constant 0 : index
    %get3A_8 = arith.constant 0 : index
    %get3A_9 = vector.load %arg1[%get3A_6, %get3A_7, %get3A_8] : memref<2x1024x128xf32, #tpu.memory_space<vmem>>, vector<1x1024x128xf32>
    %get3A_10 = vector.shape_cast %get3A_9 : vector<1x1024x128xf32> to vector<1024x128xf32>
    %add3A = arith.addf %get3A_5, %get3A_10 : vector<1024x128xf32>
    %get3A_11 = arith.constant 0 : index
    %get3A_12 = arith.constant 0 : index
    %get3A_13 = vector.load %arg2[%get3A_11, %get3A_12] : memref<1024x128xf32, #tpu.memory_space<vmem>>, vector<1024x128xf32>
    %add3A_14 = arith.addf %add3A, %get3A_13 : vector<1024x128xf32>
    %get3A_15 = arith.constant 0 : index
    %get3A_16 = arith.constant 0 : index
    %get3A_17 = vector.load %arg3[%get3A_15, %get3A_16] : memref<1024x128xf32, #tpu.memory_space<vmem>>, vector<1024x128xf32>
    %mul3A = arith.mulf %add3A_14, %get3A_17 : vector<1024x128xf32>
    %get3A_18 = arith.constant 0 : index
    %get3A_19 = arith.constant 0 : index
    %get3A_20 = arith.constant 0 : index
    %get3A_21 = vector.load %arg5[%get3A_18, %get3A_19, %get3A_20] : memref<1x1024x1xi32, #tpu.memory_space<vmem>>, vector<1x1024x1xi32>
    %get3A_22 = vector.shape_cast %get3A_21 : vector<1x1024x1xi32> to vector<1024x1xi32>
    %iota3A = tpu.iota {dimensions = array<i32: 1>} : vector<1024x64xi32>
    %eq3A_23 = vector.broadcast %get3A_22 : vector<1024x1xi32> to vector<1024x64xi32>
    %eq3A_24 = arith.cmpi eq, %eq3A_23, %iota3A : vector<1024x64xi32>
    %convert_element_type3A_25 = arith.extui %eq3A_24 : vector<1024x64xi1> to vector<1024x64xi32>
    %convert_element_type3A_26 = arith.sitofp %convert_element_type3A_25 : vector<1024x64xi32> to vector<1024x64xf32>
    %get3A_27 = arith.constant 0 : index
    %get3A_28 = arith.constant 0 : index
    %get3A_29 = vector.load %arg7[%get3A_27, %get3A_28] : memref<64x128xf32, #tpu.memory_space<vmem>>, vector<64x128xf32>
    %dot_general3A = arith.constant dense<0.000000e+00> : vector<64x128xf32>
    %dot_general3A_30 = tpu.matmul %convert_element_type3A_26, %mul3A, %dot_general3A {dimension_numbers = #tpu.dot_dimension_numbers<[0], [0], [1], [1], [0, 1, 1, 1], [], []>, transpose_lhs_hint = false} : vector<1024x64xf32>, vector<1024x128xf32>, vector<64x128xf32> -> vector<64x128xf32>
    %add3A_31 = arith.addf %get3A_29, %dot_general3A_30 : vector<64x128xf32>
    %swap3A = arith.constant 0 : index
    %swap3A_32 = arith.constant 0 : index
    %swap3A_33 = vector.load %arg7[%swap3A, %swap3A_32] : memref<64x128xf32, #tpu.memory_space<vmem>>, vector<64x128xf32>
    tpu.vector_store %arg7[%swap3A, %swap3A_32], %add3A_31 {strides = array<i32>} : memref<64x128xf32, #tpu.memory_space<vmem>>, vector<64x128xf32>,
    %get3A_34 = arith.constant 0 : index
    %get3A_35 = arith.constant 0 : index
    %get3A_36 = vector.load %arg8[%get3A_34, %get3A_35] : memref<64x128xf32, #tpu.memory_space<vmem>>, vector<64x128xf32>
    %broadcast_in_dim3A = arith.constant 1.000000e+00 : f32
    %broadcast_in_dim3A_37 = vector.broadcast %broadcast_in_dim3A : f32 to vector<1024x128xf32>
    %dot_general3A_38 = arith.constant dense<0.000000e+00> : vector<64x128xf32>
    %dot_general3A_39 = tpu.matmul %convert_element_type3A_26, %broadcast_in_dim3A_37, %dot_general3A_38 {dimension_numbers = #tpu.dot_dimension_numbers<[0], [0], [1], [1], [0, 1, 1, 1], [], []>, transpose_lhs_hint = false} : vector<1024x64xf32>, vector<1024x128xf32>, vector<64x128xf32> -> vector<64x128xf32>
    %add3A_40 = arith.addf %get3A_36, %dot_general3A_39 : vector<64x128xf32>
    %swap3A_41 = arith.constant 0 : index
    %swap3A_42 = arith.constant 0 : index
    %swap3A_43 = vector.load %arg8[%swap3A_41, %swap3A_42] : memref<64x128xf32, #tpu.memory_space<vmem>>, vector<64x128xf32>
    tpu.vector_store %arg8[%swap3A_41, %swap3A_42], %add3A_40 {strides = array<i32>} : memref<64x128xf32, #tpu.memory_space<vmem>>, vector<64x128xf32>,
    %eq3A_44 = arith.constant 9 : i32
    %eq3A_45 = arith.cmpi eq, %arg0, %eq3A_44 : i32
    %convert_element_type3A_46 = arith.extui %eq3A_45 : i1 to i32
    %cond3A_47 = arith.constant 0 : i32
    %cond3A_48 = arith.cmpi ne, %convert_element_type3A_46, %cond3A_47 : i32
    scf.if %cond3A_48 {
      %get3A_49 = arith.constant 0 : index
      %get3A_50 = arith.constant 0 : index
      %get3A_51 = vector.load %arg7[%get3A_49, %get3A_50] : memref<64x128xf32, #tpu.memory_space<vmem>>, vector<64x128xf32>
      %get3A_52 = arith.constant 0 : index
      %get3A_53 = arith.constant 0 : index
      %get3A_54 = vector.load %arg8[%get3A_52, %get3A_53] : memref<64x128xf32, #tpu.memory_space<vmem>>, vector<64x128xf32>
      %max3A = arith.constant 1.000000e+00 : f32
      %max3A_55 = vector.broadcast %max3A : f32 to vector<64x128xf32>
      %max3A_56 = arith.maximumf %get3A_54, %max3A_55 : vector<64x128xf32>
      %div3A = arith.divf %get3A_51, %max3A_56 : vector<64x128xf32>
      %get3A_57 = arith.constant 0 : index
      %get3A_58 = arith.constant 0 : index
      %get3A_59 = vector.load %arg4[%get3A_57, %get3A_58] : memref<1x128xf32, #tpu.memory_space<vmem>>, vector<1x128xf32>
      %add3A_60 = vector.broadcast %get3A_59 : vector<1x128xf32> to vector<64x128xf32>
      %add3A_61 = arith.addf %div3A, %add3A_60 : vector<64x128xf32>
      %swap3A_62 = arith.constant 0 : index
      %swap3A_63 = arith.constant 0 : index
      %swap3A_64 = vector.load %arg6[%swap3A_62, %swap3A_63] : memref<64x128xf32, #tpu.memory_space<vmem>>, vector<64x128xf32>
      tpu.vector_store %arg6[%swap3A_62, %swap3A_63], %add3A_61 {strides = array<i32>} : memref<64x128xf32, #tpu.memory_space<vmem>>, vector<64x128xf32>,
    } else {
    }
    return
  }
  func.func @transform_0(%arg0: i32) -> (i32, i32, i32) {
    %c0_i32 = arith.constant 0 : i32
    %c0_i32_0 = arith.constant 0 : i32
    %c0_i32_1 = arith.constant 0 : i32
    return %c0_i32, %arg0, %c0_i32_0 : i32, i32, i32
  }
  func.func @transform_1(%arg0: i32) -> (i32, i32) {
    %c0_i32 = arith.constant 0 : i32
    %c0_i32_0 = arith.constant 0 : i32
    return %arg0, %c0_i32 : i32, i32
  }
  func.func @transform_2(%arg0: i32) -> (i32, i32) {
    %c0_i32 = arith.constant 0 : i32
    %c0_i32_0 = arith.constant 0 : i32
    return %arg0, %c0_i32 : i32, i32
  }
  func.func @transform_3(%arg0: i32) -> (i32, i32) {
    %c0_i32 = arith.constant 0 : i32
    %c0_i32_0 = arith.constant 0 : i32
    %c0_i32_1 = arith.constant 0 : i32
    return %c0_i32, %c0_i32_0 : i32, i32
  }
  func.func @transform_4(%arg0: i32) -> (i32, i32, i32) {
    %c0_i32 = arith.constant 0 : i32
    %c0_i32_0 = arith.constant 0 : i32
    %c0_i32_1 = arith.constant 0 : i32
    return %arg0, %c0_i32, %c0_i32_0 : i32, i32, i32
  }
  func.func @transform_5(%arg0: i32) -> (i32, i32) {
    %c0_i32 = arith.constant 0 : i32
    %c0_i32_0 = arith.constant 0 : i32
    %c0_i32_1 = arith.constant 0 : i32
    return %c0_i32, %c0_i32_0 : i32, i32
  }
}

</mosaic_0001>

<sc_bundles>
// kernel: kernel.11.cloned.1.call-start
scs
__scs_entry_jumppad:
0x0: {  	(pc) =	sbr.rel $0x88, $3  }
0x1: {  	(tag) =	ssettag $0x0;
	lr =	simm.s32 $0x1  }
0x2: {  	[smem:$0x3F9A] =	sst lr;
	_ =	strace $0xD0000000  }
0x3: {  	_ = 	snop  }
0x4: {  	_ = 	snop  }
0x5: {  	_ = 	snop  }
0x6: {  	_ = 	snop  }
0x7: {  	_ = 	snop  }
__scs_overlays_trampoline_lowered:
0x8: {  	[smem:$0x3FA9] =	sst s0  }
0x9: {  	[smem:$0x3FAA] =	sst s1  }
0xa: {  	[smem:$0x3FAB] =	sst s2  }
0xb: {  	[smem:$0x3FAC] =	sst s3  }
0xc: {  	[smem:$0x3FAD] =	sst s4  }
0xd: {  	[smem:$0x3FAE] =	sst s5  }
0xe: {  	[smem:$0x3FAF] =	sst s6  }
0xf: {  	[smem:$0x3FB0] =	sst s7  }
0x10: {  	[smem:$0x3FB1] =	sst s8  }
0x11: {  	[smem:$0x3FB2] =	sst s9;
	s0 =	simm.s32 @!p0 $0x0  }
0x12: {  	s1 =	sld [smem:$0x3F98];
	s0 =	simm.s32 @p0 $0x1  }
0x13: {  	[smem:$0x3FB3] =	sst s0;
	s0 =	simm.s32 @!p1 $0x0  }
0x14: {  	s2 =	sld [smem:$0x3F97];
	s0 =	simm.s32 @p1 $0x1  }
0x15: {  	[smem:$0x3FB4] =	sst s0;
	s0 =	simm.s32 @!p2 $0x0  }
0x16: {  	s3 =	sld [smem:$0x3FDB];
	s0 =	simm.s32 @p2 $0x1  }
0x17: {  	s4 =	simm.s32 $0x1BF5;
	[smem:$0x3FB6] =	sst s0  }
0x18: {  	s0 =	sld [smem:$0x3F99];
	_ =	swait.ge [sflag:s4], $0x0  }
0x19: {  	s7 =	sld [smem:$0x3F9A]  }
0x1a: {  	s8 =	sadd.s32 $0xFFFFE003, lr  }
0x1b: {  	s9 =	sadd.s32 $0xFFFFFEF7, lr;
	s5 =	simm.s32 $0xFFFFFFFF;
	p2 =	slt.u32 s8, $0xFFFFF086  }
0x1c: {  	p1 =	slt.u32 s9, $0xF7A;
	s5 =	simm.s32 @!p2 $0x0  }
0x1d: {  	s5 =	simm.s32 @p1 $0x1;
	p0 =	seq.s32 s7, s2  }
0x1e: {  	s7 =	smul.u32 @!p0 $0xF7A, s2;
	p2 =	seq.s32 @!p0 s5, $0x0  }
0x1f: {  	s9 =	smul.u32 $0xF7A, s1;
	s8 =	simm.s32 @!p0 $0x1BF5;
	p2 =	por !p2, p0  }
0x20: {  	[sflag:s8] =	ssyncset.s32 @!p0 $0xFFFFF086;
	s6 =	sadd.s32 @!p0 s3, s7;
	s7 =	simm.s32 @!p0 $0x108  }
0x21: {  	s3 =	sadd.s32 s3, s9;
	s6 =	sadd.s32 @!p0 $0x88, s6;
	s7 =	simm.s32 @p2 $0x1082  }
0x22: {  	[simem:s7], [sflag:s8] =	dma.local @!p0 [hbm:s6], $0xF7A  }
0x23: {  	s9 =	sor.u32 $0xD0000000, s2;
	s6 =	simm.s32 $0x108;
	_ =	swait.ge @!p0 [sflag:s8], $0x0  }
0x24: {  	s3 =	sadd.s32 $0x88, s3;
	s6 =	simm.s32 @!p1 $0x1082;
	[sflag:s4] =	ssyncset.s32 $0xFFFFF086  }
0x25: {  	[simem:s6], [sflag:s4] =	dma.local [hbm:s3], $0xF7A  }
0x26: {  	[smem:$0x3F9A] =	sst s1;
	(tag) =	ssettag s2;
	_ =	strace s9  }
0x27: {  	s1 =	sld [smem:$0x3FAA]  }
0x28: {  	s2 =	sld [smem:$0x3FAB]  }
0x29: {  	s4 =	sld [smem:$0x3FAD]  }
0x2a: {  	p0 =	seq.s32 s5, $0x0;
	s5 =	sld [smem:$0x3FAE]  }
0x2b: {  	s6 =	sld [smem:$0x3FAF]  }
0x2c: {  	s7 =	sld [smem:$0x3FB0]  }
0x2d: {  	s3 =	simm.s32 $0x108;
	s8 =	sld [smem:$0x3FB1]  }
0x2e: {  	s3 =	simm.s32 @!p0 $0x1082;
	s9 =	sld [smem:$0x3FB2]  }
0x2f: {  	lr =	sadd.s32 s0, s3;
	s0 =	sld [smem:$0x3FA9]  }
0x30: {  	s3 =	sld [smem:$0x3FAC]  }
0x31: {  	[smem:$0x3FB5] =	sst s10  }
0x32: {  	s10 =	sld [smem:$0x3FB3];
	_ =	sdelay $0x3  }
0x33: {  	p0 =	seq.s32 s10, $0x1;
	s10 =	sld [smem:$0x3FB5];
	_ =	sdelay $0x3  }
0x34: {  	[smem:$0x3FB5] =	sst s10  }
0x35: {  	s10 =	sld [smem:$0x3FB4];
	_ =	sdelay $0x3  }
0x36: {  	p1 =	seq.s32 s10, $0x1;
	s10 =	sld [smem:$0x3FB5];
	_ =	sdelay $0x3  }
0x37: {  	[smem:$0x3FB5] =	sst s10  }
0x38: {  	s10 =	sld [smem:$0x3FB6]  }
0x39: {  	_ = 	snop;
	(pc) =	sbr.ind lr, $3  }
0x3a: {  	_ = 	snop  }
0x3b: {  	_ = 	snop  }
0x3c: {  	p2 =	seq.s32 s10, $0x1;
	s10 =	sld [smem:$0x3FB5]  }
0x3d: {  	_ =	shalt  }
0x3e: {  	_ =	shalt  }
0x3f: {  	_ =	shalt  }
0x40: {  	_ =	shalt  }
0x41: {  	_ =	shalt  }
0x42: {  	_ =	shalt  }
0x43: {  	_ =	shalt  }
0x44: {  	_ =	shalt  }
0x45: {  	_ =	shalt  }
0x46: {  	_ =	shalt  }
0x47: {  	_ =	shalt  }
0x48: {  	_ =	shalt  }
0x49: {  	_ =	shalt  }
0x4a: {  	_ =	shalt  }
0x4b: {  	_ =	shalt  }
0x4c: {  	_ =	shalt  }
0x4d: {  	_ =	shalt  }
0x4e: {  	_ =	shalt  }
0x4f: {  	_ =	shalt  }
0x50: {  	_ =	shalt  }
0x51: {  	_ =	shalt  }
0x52: {  	_ =	shalt  }
0x53: {  	_ =	shalt  }
0x54: {  	_ =	shalt  }
0x55: {  	_ =	shalt  }
0x56: {  	_ =	shalt  }
0x57: {  	_ =	shalt  }
0x58: {  	_ =	shalt  }
0x59: {  	_ =	shalt  }
0x5a: {  	_ =	shalt  }
0x5b: {  	_ =	shalt  }
0x5c: {  	_ =	shalt  }
0x5d: {  	_ =	shalt  }
0x5e: {  	_ =	shalt  }
0x5f: {  	_ =	shalt  }
0x60: {  	_ =	shalt  }
0x61: {  	_ =	shalt  }
0x62: {  	_ =	shalt  }
0x63: {  	_ =	shalt  }
0x64: {  	_ =	shalt  }
0x65: {  	_ =	shalt  }
0x66: {  	_ =	shalt  }
0x67: {  	_ =	shalt  }
0x68: {  	_ =	shalt  }
0x69: {  	_ =	shalt  }
0x6a: {  	_ =	shalt  }
0x6b: {  	_ =	shalt  }
0x6c: {  	_ =	shalt  }
0x6d: {  	_ =	shalt  }
0x6e: {  	_ =	shalt  }
0x6f: {  	_ =	shalt  }
0x70: {  	_ =	shalt  }
0x71: {  	_ =	shalt  }
0x72: {  	_ =	shalt  }
0x73: {  	_ =	shalt  }
0x74: {  	_ =	shalt  }
0x75: {  	_ =	shalt  }
0x76: {  	_ =	shalt  }
0x77: {  	_ =	shalt  }
0x78: {  	_ =	shalt  }
0x79: {  	_ =	shalt  }
0x7a: {  	_ =	shalt  }
0x7b: {  	_ =	shalt  }
0x7c: {  	_ =	shalt  }
0x7d: {  	_ =	shalt  }
0x7e: {  	_ =	shalt  }
0x7f: {  	_ =	shalt  }
0x80: {  	_ =	shalt  }
0x81: {  	_ =	shalt  }
0x82: {  	_ =	shalt  }
0x83: {  	_ =	shalt  }
0x84: {  	_ =	shalt  }
0x85: {  	_ =	shalt  }
0x86: {  	_ =	shalt  }
0x87: {  	_ =	shalt  }
.Lfunc_end0:
.L_simem_size_0:
called_computation.1_lowered:
.L_overlay_start_0:
0x88: {  	s2 =	sld [smem:$0x3FD9]  }
0x89: {  	s3 =	sld [smem:$0x3FFE];
	_ =	sdelay $0x1  }
0x8a: {  	s1 =	srdreg.scid  }
0x8b: {  	s0 =	sand.u32 $0x1, s1  }
0x8c: {  	s16 =	sshll.u32 s0, $0xA;
	s2 =	sadd.s32 s3, s2  }
0x8d: {  	s2 =	sadd.s32 s2, s16  }
0x8e: {  	[smem:$0x3FC1] =	sst s2  }
0x8f: {  	_ = 	snop  }
0x90: {  	(tm) =	ssettm $0x1  }
0x91: {  	s17 =	sld [smem:$0x3FFB];
	_ =	sdelay $0x3  }
0x92: {  	_ =	strace s17  }
0x93: {  	s2 =	sld [smem:$0x3FFC];
	_ =	sdelay $0x3  }
0x94: {  	_ =	strace s2  }
0x95: {  	s2 =	sld [smem:$0x3FFD];
	_ =	sdelay $0x3  }
0x96: {  	_ =	strace s2  }
0x97: {  	_ =	strace $0x8FFFFFFF  }
0x98: {  	s18 =	sld [smem:$0x3FDB];
	_ =	sdelay $0x1  }
0x99: {  	s19 =	simm.s32 $_scs_section_size  }
0x9a: {  	s4 =	simm.s32 $_size__tile_overlayer_lowered;
	s5 =	simm.s32 $_tile_overlayer_lowered  }
0x9b: {  	s22 =	simm.s32 $0x1BFF;
	s21 =	sshll.u32 s5, $0x1;
	s2 =	sadd.s32 s19, s18  }
0x9c: {  	s6 =	simm.s32 $0x0;
	s20 =	sshll.u32 s4, $0x1;
	s4 =	sadd.s32 s21, s2  }
0x9d: {  	[timem:s6], [sflag:s22] =	dma.local [hbm:s4], s20  }
0x9e: {  	_ =	swait.ge [sflag:s22], s20  }
0x9f: {  	s3 =	ssub.s32 $0x0, s20;
	[sflag:s22] =	ssyncset.done $0x0  }
0xa0: {  	[sflag:s22] =	ssyncadd.s32 s3;
	_ =	sdelay $0x1  }
0xa1: {  	s23 =	simm.s32 $0x1B8B  }
0xa2: {  	_ =	swait.ge [sflag:s23], $0x1  }
0xa3: {  	[sflag:s23] =	ssyncset.done $0x0  }
0xa4: {  	s25 =	simm.s32 $0x1B8E;
	s24 =	sld [smem:$0x3FFE];
	[sflag:s23] =	ssyncadd.s32 $0xFFFFFFFF  }
0xa5: {  	s26 =	simm.s32 $execute0_lowered;
	[smem:$0x3FD2] =	sst s25  }
0xa6: {  	s4 =	sshll.u32 s26, $0x1;
	_ =	strace $0x80000049;
	[dreg:$0x1] =	wrdreg $0xFFFFFFFF  }
0xa7: {  	s28 =	simm.s32 $_size_execute0_lowered;
	s2 =	sadd.s32 s2, s4;
	[dreg:$0x0] =	wrdreg $0x0  }
0xa8: {  	s4 =	sshll.u32 s28, $0x1;
	[dreg:$0x2] =	wrdreg s2  }
0xa9: {  	[dreg:$0x3] =	wrdreg s4  }
0xaa: {  	[dreg:$0x4] =	wrdreg $0xC0  }
0xab: {  	_ =	task [dreg:s6], $0x5FFFF  }
0xac: {  	[dreg:$0x1] =	wrdreg $0xFFFFFFFF  }
0xad: {  	[dreg:$0x0] =	wrdreg $0x60  }
0xae: {  	[dreg:$0x2] =	wrdreg s24  }
0xaf: {  	[dreg:$0x3] =	wrdreg $0xA4000  }
0xb0: {  	[dreg:$0x4] =	wrdreg $0x9  }
0xb1: {  	_ =	task.clear_ibuf [dreg:s6], $0x5FFFF;
	_ =	strace $0x90000049  }
0xb2: {  	s29 =	simm.s32 $0x9;
	_ =	strace $0x8000004B  }
0xb3: {  	_ =	swait.ge [sflag:s29], $0x1  }
0xb4: {  	[sflag:s29] =	ssyncadd.s32 $0xFFFFFFFF  }
0xb5: {  	_ =	strace $0x9000004B  }
0xb6: {  	_ =	sfence  }
0xb7: {  	s30 =	sld [smem:$0x0];
	_ =	sdelay $0x2  }
0xb8: {  	s31 =	sshll.u32 s1, $0xD;
	s1 =	sshrl.u32 s1, $0x2  }
0xb9: {  	s3 =	sand.u32 $0x4000, s31;
	s1 =	sadd.s32 s1, s30  }
0xba: {  	s0 =	sor.u32 s3, s0;
	s1 =	sshll.u32 s1, $0x11  }
0xbb: {  	s0 =	sor.u32 s1, s0  }
0xbc: {  	s0 =	sadd.s32 $0x8F2B, s0  }
0xbd: {  	[sflag:s0] =	ssyncadd.remote.s32 $0x1  }
0xbe: {  	_ =	sfence.sel $0xFFFF  }
0xbf: {  	[dreg:$0x0] =	wrdreg $0xFFFFFFFF;
	(pc) =	sbr.abs _section_cstart, $3  }
0xc0: {  	[dreg:$0x1] =	wrdreg $0xFFFFFFFF  }
0xc1: {  	_ =	task.clear_ibuf [dreg:s6], $0x2FFFF;
	_ =	strace $0x9FFFFFFF  }
0xc2: {  	(tm) =	ssettm $0x7FFFFFFF  }
0xc3: {  	_ =	shalt  }
tec
execute0_lowered:
.L_overlay_start_1:
0x0: {  	(tag) =	ssettag $0x1  }
0x1: {  	s0 =	rddreg [dreg:$0x0]  }
0x2: {  	s1 =	rddreg [dreg:$0x1]  }
0x3: {  	s3 =	simm.s32 $0x0;
	s2 =	srdreg.scid;
	s10 =	stileid.u32  }
0x4: {  	s28 =	simm.s32 $0x3;
	s29 =	simm.s32 $0x5400;
	s30 =	simm.s32 $0x7C00  }
0x5: {  	s31 =	simm.s32 $0x0;
	[smem:$0x7FF] =	sst s3;
	s6 =	smul.u32 $0x14000, s10  }
0x6: {  	s2 =	sand.u32 $0x1, s2;
	s12 =	sadd.s32 $0x5F400, s0;
	s7 =	smul.u32 $0x50000, s10  }
0x7: {  	s11 =	sadd.s32 $0x2600, s0;
	s4 =	sadd.s32 $0xEE00, s0;
	s8 =	smul.u32 $0x2800, s10  }
0x8: {  	s9 =	sadd.s32 $0xC600, s0;
	s17 =	sshll.u32 s10, $0x6;
	s5 =	smul.u32 $0x140000, s2  }
0x9: {  	_ =	strace $0x8000004A;
	s13 =	smul.u32 $0x28000, s2;
	s2 =	ssub.s32 $0x2, s2  }
0xa: {  	[dreg:$0x7] =	wrdreg s9;
	s14 =	sshrl.u32 s2, $0x1;
	s15 =	sshrl.u32 s7, $0x2  }
0xb: {  	s5 =	sadd.s32 s6, s5;
	s2 =	ssub.s32 s2, s14;
	s16 =	sadd.s32 s8, s13  }
0xc: {  	s6 =	sor.u32 $0x1C04, s17;
	s14 =	simm.s32 $0x4;
	s17 =	simm.s32 $0x180  }
0xd: {  	s5 =	sshrl.u32 s5, $0x3;
	s18 =	sshrl.u32 s16, $0x3;
	s20 =	sor.u32 $0xF0, s16  }
0xe: {  	s2 =	smax.u32 s2, $0x1;
	s23 =	sor.u32 $0xA0, s16;
	s25 =	sor.u32 $0x50, s16  }
0xf: {  	s16 =	simm.s32 $0x100;
	s0 =	sadd.s32 s5, s0;
	s5 =	sadd.s32 s15, s1  }
0x10: {  	s19 =	sadd.s32 s18, s11;
	s21 =	sadd.s32 s18, s12;
	s10 =	sshrl.u32 s20, $0x3  }
0x11: {  	[dreg:$0x9] =	wrdreg s2;
	s26 =	sshrl.u32 s25, $0x3;
	s15 =	simm.s32 $0x80  }
0x12: {  	s18 =	simm.s32 $0x200;
	s20 =	simm.s32 $0x300;
	[dreg:$0x3] =	wrdreg s19  }
0x13: {  	s25 =	simm.s32 $0x2;
	s0 =	sadd.s32 $0x69400, s0;
	[dreg:$0x4] =	wrdreg s21  }
0x14: {  	s22 =	sadd.s32 s10, s11;
	s24 =	sadd.s32 s10, s12;
	[dreg:$0x8] =	wrdreg s0  }
0x15: {  	s2 =	sshrl.u32 s5, $0x3;
	s19 =	simm.s32 $0x280;
	[dreg:$0x5] =	wrdreg s22  }
0x16: {  	s21 =	simm.s32 $0x380;
	s0 =	sshrl.u32 s23, $0x3;
	[dreg:$0x6] =	wrdreg s24  }
0x17: {  	s22 =	simm.s32 $0x1;
	s23 =	simm.s32 $0x50;
	s24 =	simm.s32 $0x400  }
0x18: {  	[dreg:$0xa] =	wrdreg s2;
	s9 =	sadd.s32 s0, s11;
	s10 =	sadd.s32 s0, s12  }
0x19: {  	s11 =	sadd.s32 s26, s11;
	s12 =	sadd.s32 s26, s12;
	s26 =	simm.s32 $0x2C00  }
.LBB2_1:
0x1a: {  	s0 =	rddreg [dreg:$0x7]  }
0x1b: {  	[spmem:s2], [sflag:s6] =	dma.local [hbm:s0], $0x2800  }
0x1c: {  	_ =	swait.ge [sflag:s14], $0x2800  }
0x1d: {  	[sflag:s14] =	ssyncset.done $0x0  }
0x1e: {  	[sflag:s14] =	ssyncadd.s32 $0xFFFFD800  }
0x1f: {  	[bflag:$0x0] =	sbarrier.arrive $0xFFFF  }
0x20: {  	s2 =	rddreg [dreg:$0x4]  }
0x21: {  	s0 =	sadd.s32 $0x0, s2  }
0x22: {  	[tilespmem:s3], [sflag:$0x1] =	stream.linear.gather [hbm4b:s0+s3], $0x50, $0x38;
	[tilespmem:$0x1E400] =	vst v63  }
0x23: {  	s5 =	sadd.s32 $0x0, s12  }
0x24: {  	[tilespmem:s15], [sflag:$0x1] =	stream.linear.gather [hbm4b:s5+s3], $0x50, $0x38;
	[tilespmem:$0x1E400] =	vst v63  }
0x25: {  	s13 =	smov.u32 s6;
	s7 =	sadd.s32 $0x0, s10;
	s6 =	rddreg [dreg:$0x6]  }
0x26: {  	[tilespmem:s16], [sflag:$0x1] =	stream.linear.gather [hbm4b:s7+s3], $0x50, $0x38;
	[tilespmem:$0x1E400] =	vst v63  }
0x27: {  	s8 =	sadd.s32 $0x0, s6;
	s5 =	rddreg [dreg:$0x3]  }
0x28: {  	[tilespmem:s17], [sflag:$0x1] =	stream.linear.gather [hbm4b:s8+s3], $0x50, $0x38;
	[tilespmem:$0x1E400] =	vst v63  }
0x29: {  	s2 =	sadd.s32 $0x0, s5  }
0x2a: {  	[tilespmem:s18], [sflag:$0x1] =	stream.linear.gather [hbm4b:s2+s3], $0x50, $0x38;
	[tilespmem:$0x1E400] =	vst v63  }
0x2b: {  	s5 =	sadd.s32 $0x0, s11  }
0x2c: {  	[tilespmem:s19], [sflag:$0x1] =	stream.linear.gather [hbm4b:s5+s3], $0x50, $0x38;
	[tilespmem:$0x1E400] =	vst v63  }
0x2d: {  	s6 =	rddreg [dreg:$0x5];
	s7 =	sadd.s32 $0x0, s9  }
0x2e: {  	[tilespmem:s20], [sflag:$0x1] =	stream.linear.gather [hbm4b:s7+s3], $0x50, $0x38;
	[tilespmem:$0x1E400] =	vst v63  }
0x2f: {  	s8 =	sadd.s32 $0x0, s6  }
0x30: {  	[tilespmem:s21], [sflag:$0x1] =	stream.linear.gather [hbm4b:s8+s3], $0x50, $0x38;
	[tilespmem:$0x1E400] =	vst v63  }
0x31: {  	_ =	swait.ge [sflag:s22], $0x50  }
0x32: {  	[sflag:s22] =	ssyncset.done $0x0  }
0x33: {  	[sflag:s22] =	ssyncadd.s32 $0xFFFFFFB0  }
0x34: {  	_ =	swait.ge [sflag:s22], $0x50  }
0x35: {  	[sflag:s22] =	ssyncset.done $0x0  }
0x36: {  	[sflag:s22] =	ssyncadd.s32 $0xFFFFFFB0  }
0x37: {  	_ =	swait.ge [sflag:s22], $0x50  }
0x38: {  	[sflag:s22] =	ssyncset.done $0x0  }
0x39: {  	[sflag:s22] =	ssyncadd.s32 $0xFFFFFFB0  }
0x3a: {  	_ =	swait.ge [sflag:s22], $0x50  }
0x3b: {  	[sflag:s22] =	ssyncset.done $0x0  }
0x3c: {  	[sflag:s22] =	ssyncadd.s32 $0xFFFFFFB0  }
0x3d: {  	_ =	swait.ge [sflag:s22], $0x50  }
0x3e: {  	[sflag:s22] =	ssyncset.done $0x0  }
0x3f: {  	[sflag:s22] =	ssyncadd.s32 $0xFFFFFFB0  }
0x40: {  	_ =	swait.ge [sflag:s22], $0x50  }
0x41: {  	[sflag:s22] =	ssyncset.done $0x0  }
0x42: {  	[sflag:s22] =	ssyncadd.s32 $0xFFFFFFB0  }
0x43: {  	_ =	swait.ge [sflag:s22], $0x50  }
0x44: {  	[sflag:s22] =	ssyncset.done $0x0  }
0x45: {  	[sflag:s22] =	ssyncadd.s32 $0xFFFFFFB0  }
0x46: {  	_ =	swait.ge [sflag:s22], $0x50  }
0x47: {  	[sflag:s22] =	ssyncset.done $0x0  }
0x48: {  	[sflag:s22] =	ssyncadd.s32 $0xFFFFFFB0  }
0x49: {  	[tilespmem:s24], [sflag:$0x2] =	stream.indirect.gather [hbm4b:s4+s23], $0x80, s3, s23, $0xb8;
	[tilespmem:$0x1E400] =	vst v63  }
0x4a: {  	_ =	swait.ge [sflag:s25], $0x2800  }
0x4b: {  	[sflag:s25] =	ssyncset.done $0x0  }
0x4c: {  	[sflag:s25] =	ssyncadd.s32 $0xFFFFD800  }
0x4d: {  	[tilespmem:s26], [sflag:$0x2] =	stream.indirect.gather [hbm4b:s4+s23], $0x80, s15, s23, $0xb8;
	[tilespmem:$0x1E400] =	vst v63  }
0x4e: {  	_ = 	snop  }
0x4f: {  	[spmem:s1] =	stream.indirect.scatter.add.f32 [tilespmem:s24], [sflag:$0x3], $0x80, s18, s23, $0xb8;
	[tilespmem:$0x1E400] =	vst v63  }
0x50: {  	_ =	swait.ge [sflag:s28], $0x2800  }
0x51: {  	[sflag:s28] =	ssyncset.done $0x0  }
0x52: {  	[sflag:s28] =	ssyncadd.s32 $0xFFFFD800  }
0x53: {  	_ =	swait.ge [sflag:s25], $0x2800  }
0x54: {  	[sflag:s25] =	ssyncset.done $0x0  }
0x55: {  	[sflag:s25] =	ssyncadd.s32 $0xFFFFD800  }
0x56: {  	[tilespmem:s29], [sflag:$0x2] =	stream.indirect.gather [hbm4b:s4+s23], $0x80, s16, s23, $0xb8;
	[tilespmem:$0x1E400] =	vst v63  }
0x57: {  	_ = 	snop  }
0x58: {  	[spmem:s1] =	stream.indirect.scatter.add.f32 [tilespmem:s26], [sflag:$0x3], $0x80, s19, s23, $0xb8;
	[tilespmem:$0x1E400] =	vst v63  }
0x59: {  	_ =	swait.ge [sflag:s28], $0x2800  }
0x5a: {  	[sflag:s28] =	ssyncset.done $0x0  }
0x5b: {  	[sflag:s28] =	ssyncadd.s32 $0xFFFFD800  }
0x5c: {  	_ =	swait.ge [sflag:s25], $0x2800  }
0x5d: {  	[sflag:s25] =	ssyncset.done $0x0  }
0x5e: {  	[sflag:s25] =	ssyncadd.s32 $0xFFFFD800  }
0x5f: {  	[tilespmem:s30], [sflag:$0x2] =	stream.indirect.gather [hbm4b:s4+s23], $0x80, s17, s23, $0xb8;
	[tilespmem:$0x1E400] =	vst v63  }
0x60: {  	_ = 	snop  }
0x61: {  	[spmem:s1] =	stream.indirect.scatter.add.f32 [tilespmem:s29], [sflag:$0x3], $0x80, s20, s23, $0xb8;
	[tilespmem:$0x1E400] =	vst v63  }
0x62: {  	_ =	swait.ge [sflag:s28], $0x2800  }
0x63: {  	[sflag:s28] =	ssyncset.done $0x0  }
0x64: {  	[sflag:s28] =	ssyncadd.s32 $0xFFFFD800  }
0x65: {  	_ =	swait.ge [sflag:s25], $0x2800  }
0x66: {  	[sflag:s25] =	ssyncset.done $0x0  }
0x67: {  	[sflag:s25] =	ssyncadd.s32 $0xFFFFD800  }
0x68: {  	[spmem:s1] =	stream.indirect.scatter.add.f32 [tilespmem:s30], [sflag:$0x3], $0x80, s21, s23, $0xb8;
	[tilespmem:$0x1E400] =	vst v63  }
0x69: {  	s0 =	simm.s32 $0x28;
	_ =	swait.ge [sflag:s28], $0x2800  }
0x6a: {  	s2 =	simm.s32 $0x50;
	s5 =	rddreg [dreg:$0x4];
	[sflag:s28] =	ssyncset.done $0x0  }
.LBB2_2:
0x6b: {  	[sflag:s28] =	ssyncadd.s32 $0xFFFFD800;
	s5 =	sadd.s32 s0, s5  }
0x6c: {  	[tilespmem:s3], [sflag:$0x1] =	stream.linear.gather [hbm4b:s5+s3], $0x50, $0x38;
	[tilespmem:$0x1E400] =	vst v63  }
0x6d: {  	s6 =	sadd.s32 s0, s12  }
0x6e: {  	[tilespmem:s15], [sflag:$0x1] =	stream.linear.gather [hbm4b:s6+s3], $0x50, $0x38;
	[tilespmem:$0x1E400] =	vst v63  }
0x6f: {  	s8 =	rddreg [dreg:$0x6];
	s5 =	sadd.s32 s0, s10  }
0x70: {  	[tilespmem:s16], [sflag:$0x1] =	stream.linear.gather [hbm4b:s5+s3], $0x50, $0x38;
	[tilespmem:$0x1E400] =	vst v63  }
0x71: {  	s8 =	sadd.s32 s0, s8;
	s6 =	rddreg [dreg:$0x3]  }
0x72: {  	[tilespmem:s17], [sflag:$0x1] =	stream.linear.gather [hbm4b:s8+s3], $0x50, $0x38;
	[tilespmem:$0x1E400] =	vst v63  }
0x73: {  	s6 =	sadd.s32 s0, s6  }
0x74: {  	[tilespmem:s18], [sflag:$0x1] =	stream.linear.gather [hbm4b:s6+s3], $0x50, $0x38;
	[tilespmem:$0x1E400] =	vst v63  }
0x75: {  	s8 =	sadd.s32 s0, s11  }
0x76: {  	[tilespmem:s19], [sflag:$0x1] =	stream.linear.gather [hbm4b:s8+s3], $0x50, $0x38;
	[tilespmem:$0x1E400] =	vst v63  }
0x77: {  	s6 =	rddreg [dreg:$0x5];
	s8 =	sadd.s32 s0, s9  }
0x78: {  	[tilespmem:s20], [sflag:$0x1] =	stream.linear.gather [hbm4b:s8+s3], $0x50, $0x38;
	[tilespmem:$0x1E400] =	vst v63  }
0x79: {  	s8 =	sadd.s32 s0, s6  }
0x7a: {  	[tilespmem:s21], [sflag:$0x1] =	stream.linear.gather [hbm4b:s8+s3], $0x50, $0x38;
	[tilespmem:$0x1E400] =	vst v63  }
0x7b: {  	_ =	swait.ge [sflag:s22], $0x50  }
0x7c: {  	[sflag:s22] =	ssyncset.done $0x0  }
0x7d: {  	[sflag:s22] =	ssyncadd.s32 $0xFFFFFFB0  }
0x7e: {  	_ =	swait.ge [sflag:s22], $0x50  }
0x7f: {  	[sflag:s22] =	ssyncset.done $0x0  }
0x80: {  	[sflag:s22] =	ssyncadd.s32 $0xFFFFFFB0  }
0x81: {  	_ =	swait.ge [sflag:s22], $0x50  }
0x82: {  	[sflag:s22] =	ssyncset.done $0x0  }
0x83: {  	[sflag:s22] =	ssyncadd.s32 $0xFFFFFFB0  }
0x84: {  	_ =	swait.ge [sflag:s22], $0x50  }
0x85: {  	[sflag:s22] =	ssyncset.done $0x0  }
0x86: {  	[sflag:s22] =	ssyncadd.s32 $0xFFFFFFB0  }
0x87: {  	_ =	swait.ge [sflag:s22], $0x50  }
0x88: {  	[sflag:s22] =	ssyncset.done $0x0  }
0x89: {  	[sflag:s22] =	ssyncadd.s32 $0xFFFFFFB0  }
0x8a: {  	_ =	swait.ge [sflag:s22], $0x50  }
0x8b: {  	[sflag:s22] =	ssyncset.done $0x0  }
0x8c: {  	[sflag:s22] =	ssyncadd.s32 $0xFFFFFFB0  }
0x8d: {  	_ =	swait.ge [sflag:s22], $0x50  }
0x8e: {  	[sflag:s22] =	ssyncset.done $0x0  }
0x8f: {  	[sflag:s22] =	ssyncadd.s32 $0xFFFFFFB0  }
0x90: {  	_ =	swait.ge [sflag:s22], $0x50  }
0x91: {  	[sflag:s22] =	ssyncset.done $0x0  }
0x92: {  	[sflag:s22] =	ssyncadd.s32 $0xFFFFFFB0  }
0x93: {  	[tilespmem:s24], [sflag:$0x2] =	stream.indirect.gather [hbm4b:s4+s23], $0x80, s3, s23, $0xb8;
	[tilespmem:$0x1E400] =	vst v63  }
0x94: {  	_ =	swait.ge [sflag:s25], $0x2800  }
0x95: {  	[sflag:s25] =	ssyncset.done $0x0  }
0x96: {  	[sflag:s25] =	ssyncadd.s32 $0xFFFFD800  }
0x97: {  	[tilespmem:s26], [sflag:$0x2] =	stream.indirect.gather [hbm4b:s4+s23], $0x80, s15, s23, $0xb8;
	[tilespmem:$0x1E400] =	vst v63  }
0x98: {  	_ = 	snop  }
0x99: {  	[spmem:s1] =	stream.indirect.scatter.add.f32 [tilespmem:s24], [sflag:$0x3], $0x80, s18, s23, $0xb8;
	[tilespmem:$0x1E400] =	vst v63  }
0x9a: {  	_ =	swait.ge [sflag:s28], $0x2800  }
0x9b: {  	[sflag:s28] =	ssyncset.done $0x0  }
0x9c: {  	[sflag:s28] =	ssyncadd.s32 $0xFFFFD800  }
0x9d: {  	_ =	swait.ge [sflag:s25], $0x2800  }
0x9e: {  	[sflag:s25] =	ssyncset.done $0x0  }
0x9f: {  	[sflag:s25] =	ssyncadd.s32 $0xFFFFD800  }
0xa0: {  	[tilespmem:s29], [sflag:$0x2] =	stream.indirect.gather [hbm4b:s4+s23], $0x80, s16, s23, $0xb8;
	[tilespmem:$0x1E400] =	vst v63  }
0xa1: {  	_ = 	snop  }
0xa2: {  	[spmem:s1] =	stream.indirect.scatter.add.f32 [tilespmem:s26], [sflag:$0x3], $0x80, s19, s23, $0xb8;
	[tilespmem:$0x1E400] =	vst v63  }
0xa3: {  	_ =	swait.ge [sflag:s28], $0x2800  }
0xa4: {  	[sflag:s28] =	ssyncset.done $0x0  }
0xa5: {  	[sflag:s28] =	ssyncadd.s32 $0xFFFFD800  }
0xa6: {  	_ =	swait.ge [sflag:s25], $0x2800  }
0xa7: {  	[sflag:s25] =	ssyncset.done $0x0  }
0xa8: {  	[sflag:s25] =	ssyncadd.s32 $0xFFFFD800  }
0xa9: {  	[tilespmem:s30], [sflag:$0x2] =	stream.indirect.gather [hbm4b:s4+s23], $0x80, s17, s23, $0xb8;
	[tilespmem:$0x1E400] =	vst v63  }
0xaa: {  	_ = 	snop  }
0xab: {  	[spmem:s1] =	stream.indirect.scatter.add.f32 [tilespmem:s29], [sflag:$0x3], $0x80, s20, s23, $0xb8;
	[tilespmem:$0x1E400] =	vst v63  }
0xac: {  	_ =	swait.ge [sflag:s28], $0x2800  }
0xad: {  	[sflag:s28] =	ssyncset.done $0x0  }
0xae: {  	[sflag:s28] =	ssyncadd.s32 $0xFFFFD800  }
0xaf: {  	p0 =	sne.s32 s2, $0x4D8;
	_ =	swait.ge [sflag:s25], $0x2800  }
.Ltmp0:
0xb0: {  	[sflag:s25] =	ssyncset.done $0x0;
	(pc) =	sbr.rel @p0 .LBB2_2-.Ltmp0, $4  }
0xb1: {  	[sflag:s25] =	ssyncadd.s32 $0xFFFFD800  }
0xb2: {  	[spmem:s1] =	stream.indirect.scatter.add.f32 [tilespmem:s30], [sflag:$0x3], $0x80, s21, s23, $0xb8;
	[tilespmem:$0x1E400] =	vst v63  }
0xb3: {  	s7 =	smov.u32 s2;
	s2 =	sadd.s32 $0x28, s2;
	_ =	swait.ge [sflag:s28], $0x2800  }
0xb4: {  	s0 =	smov.u32 s7;
	s5 =	rddreg [dreg:$0x4];
	[sflag:s28] =	ssyncset.done $0x0  }
0xb5: {  	[sflag:s28] =	ssyncadd.s32 $0xFFFFD800;
	s2 =	sadd.s32 s0, s5  }
0xb6: {  	[tilespmem:s3], [sflag:$0x1] =	stream.linear.gather [hbm4b:s2+s3], $0x50, $0x38;
	[tilespmem:$0x1E400] =	vst v63  }
0xb7: {  	s5 =	sadd.s32 s0, s12  }
0xb8: {  	[tilespmem:s15], [sflag:$0x1] =	stream.linear.gather [hbm4b:s5+s3], $0x50, $0x38;
	[tilespmem:$0x1E400] =	vst v63  }
0xb9: {  	s6 =	rddreg [dreg:$0x6];
	s7 =	sadd.s32 s0, s10  }
0xba: {  	[tilespmem:s16], [sflag:$0x1] =	stream.linear.gather [hbm4b:s7+s3], $0x50, $0x38;
	[tilespmem:$0x1E400] =	vst v63  }
0xbb: {  	s8 =	rddreg [dreg:$0x3];
	s2 =	sadd.s32 s0, s6  }
0xbc: {  	[tilespmem:s17], [sflag:$0x1] =	stream.linear.gather [hbm4b:s2+s3], $0x50, $0x38;
	[tilespmem:$0x1E400] =	vst v63  }
0xbd: {  	s6 =	sadd.s32 s0, s8  }
0xbe: {  	[tilespmem:s18], [sflag:$0x1] =	stream.linear.gather [hbm4b:s6+s3], $0x50, $0x38;
	[tilespmem:$0x1E400] =	vst v63  }
0xbf: {  	s7 =	sadd.s32 s0, s11  }
0xc0: {  	[tilespmem:s19], [sflag:$0x1] =	stream.linear.gather [hbm4b:s7+s3], $0x50, $0x38;
	[tilespmem:$0x1E400] =	vst v63  }
0xc1: {  	s8 =	rddreg [dreg:$0x5];
	s6 =	sadd.s32 s0, s9  }
0xc2: {  	[tilespmem:s20], [sflag:$0x1] =	stream.linear.gather [hbm4b:s6+s3], $0x50, $0x38;
	[tilespmem:$0x1E400] =	vst v63  }
0xc3: {  	s7 =	sadd.s32 s0, s8  }
0xc4: {  	[tilespmem:s21], [sflag:$0x1] =	stream.linear.gather [hbm4b:s7+s3], $0x50, $0x38;
	[tilespmem:$0x1E400] =	vst v63  }
0xc5: {  	_ =	swait.ge [sflag:s22], $0x50  }
0xc6: {  	[sflag:s22] =	ssyncset.done $0x0  }
0xc7: {  	[sflag:s22] =	ssyncadd.s32 $0xFFFFFFB0  }
0xc8: {  	_ =	swait.ge [sflag:s22], $0x50  }
0xc9: {  	[sflag:s22] =	ssyncset.done $0x0  }
0xca: {  	[sflag:s22] =	ssyncadd.s32 $0xFFFFFFB0  }
0xcb: {  	_ =	swait.ge [sflag:s22], $0x50  }
0xcc: {  	[sflag:s22] =	ssyncset.done $0x0  }
0xcd: {  	[sflag:s22] =	ssyncadd.s32 $0xFFFFFFB0  }
0xce: {  	_ =	swait.ge [sflag:s22], $0x50  }
0xcf: {  	[sflag:s22] =	ssyncset.done $0x0  }
0xd0: {  	[sflag:s22] =	ssyncadd.s32 $0xFFFFFFB0  }
0xd1: {  	_ =	swait.ge [sflag:s22], $0x50  }
0xd2: {  	[sflag:s22] =	ssyncset.done $0x0  }
0xd3: {  	[sflag:s22] =	ssyncadd.s32 $0xFFFFFFB0  }
0xd4: {  	_ =	swait.ge [sflag:s22], $0x50  }
0xd5: {  	[sflag:s22] =	ssyncset.done $0x0  }
0xd6: {  	[sflag:s22] =	ssyncadd.s32 $0xFFFFFFB0  }
0xd7: {  	_ =	swait.ge [sflag:s22], $0x50  }
0xd8: {  	[sflag:s22] =	ssyncset.done $0x0  }
0xd9: {  	[sflag:s22] =	ssyncadd.s32 $0xFFFFFFB0  }
0xda: {  	_ =	swait.ge [sflag:s22], $0x50  }
0xdb: {  	[sflag:s22] =	ssyncset.done $0x0  }
0xdc: {  	[sflag:s22] =	ssyncadd.s32 $0xFFFFFFB0  }
0xdd: {  	[tilespmem:s24], [sflag:$0x2] =	stream.indirect.gather [hbm4b:s4+s23], $0x80, s3, s23, $0xb8;
	[tilespmem:$0x1E400] =	vst v63  }
0xde: {  	_ =	swait.ge [sflag:s25], $0x2800  }
0xdf: {  	[sflag:s25] =	ssyncset.done $0x0  }
0xe0: {  	[sflag:s25] =	ssyncadd.s32 $0xFFFFD800  }
0xe1: {  	[tilespmem:s26], [sflag:$0x2] =	stream.indirect.gather [hbm4b:s4+s23], $0x80, s15, s23, $0xb8;
	[tilespmem:$0x1E400] =	vst v63  }
0xe2: {  	_ = 	snop  }
0xe3: {  	[spmem:s1] =	stream.indirect.scatter.add.f32 [tilespmem:s24], [sflag:$0x3], $0x80, s18, s23, $0xb8;
	[tilespmem:$0x1E400] =	vst v63  }
0xe4: {  	_ =	swait.ge [sflag:s28], $0x2800  }
0xe5: {  	[sflag:s28] =	ssyncset.done $0x0  }
0xe6: {  	[sflag:s28] =	ssyncadd.s32 $0xFFFFD800  }
0xe7: {  	_ =	swait.ge [sflag:s25], $0x2800  }
0xe8: {  	[sflag:s25] =	ssyncset.done $0x0  }
0xe9: {  	[sflag:s25] =	ssyncadd.s32 $0xFFFFD800  }
0xea: {  	[tilespmem:s29], [sflag:$0x2] =	stream.indirect.gather [hbm4b:s4+s23], $0x80, s16, s23, $0xb8;
	[tilespmem:$0x1E400] =	vst v63  }
0xeb: {  	_ = 	snop  }
0xec: {  	[spmem:s1] =	stream.indirect.scatter.add.f32 [tilespmem:s26], [sflag:$0x3], $0x80, s19, s23, $0xb8;
	[tilespmem:$0x1E400] =	vst v63  }
0xed: {  	_ =	swait.ge [sflag:s28], $0x2800  }
0xee: {  	[sflag:s28] =	ssyncset.done $0x0  }
0xef: {  	[sflag:s28] =	ssyncadd.s32 $0xFFFFD800  }
0xf0: {  	_ =	swait.ge [sflag:s25], $0x2800  }
0xf1: {  	[sflag:s25] =	ssyncset.done $0x0  }
0xf2: {  	[sflag:s25] =	ssyncadd.s32 $0xFFFFD800  }
0xf3: {  	[tilespmem:s30], [sflag:$0x2] =	stream.indirect.gather [hbm4b:s4+s23], $0x80, s17, s23, $0xb8;
	[tilespmem:$0x1E400] =	vst v63  }
0xf4: {  	_ = 	snop  }
0xf5: {  	[spmem:s1] =	stream.indirect.scatter.add.f32 [tilespmem:s29], [sflag:$0x3], $0x80, s20, s23, $0xb8;
	[tilespmem:$0x1E400] =	vst v63  }
0xf6: {  	_ =	swait.ge [sflag:s28], $0x2800  }
0xf7: {  	[sflag:s28] =	ssyncset.done $0x0  }
0xf8: {  	[sflag:s28] =	ssyncadd.s32 $0xFFFFD800  }
0xf9: {  	_ =	swait.ge [sflag:s25], $0x2800  }
0xfa: {  	[sflag:s25] =	ssyncset.done $0x0  }
0xfb: {  	[sflag:s25] =	ssyncadd.s32 $0xFFFFD800  }
0xfc: {  	[spmem:s1] =	stream.indirect.scatter.add.f32 [tilespmem:s30], [sflag:$0x3], $0x80, s21, s23, $0xb8;
	[tilespmem:$0x1E400] =	vst v63  }
0xfd: {  	_ =	swait.ge [sflag:s28], $0x2800  }
0xfe: {  	[sflag:s28] =	ssyncset.done $0x0  }
0xff: {  	[sflag:s28] =	ssyncadd.s32 $0xFFFFD800  }
0x100: {  	[bflag:$0x0] =	sbarrier.arrive $0xFFFF  }
0x101: {  	s8 =	rddreg [dreg:$0x8]  }
0x102: {  	s2 =	rddreg [dreg:$0xa]  }
0x103: {  	[hbm:s8], [sflag:s13] =	dma.local [spmem:s2], $0x2800  }
0x104: {  	_ =	swait.ge [sflag:s14], $0x2800  }
0x105: {  	s31 =	sadd.s32 $0x1, s31;
	s6 =	smov.u32 s13;
	s13 =	rddreg [dreg:$0x9]  }
0x106: {  	p0 =	sne.s32 s31, s13  }
.Ltmp1:
0x107: {  	_ = 	snop;
	(pc) =	sbr.rel @p0 .LBB2_1-.Ltmp1, $3  }
0x108: {  	_ =	sdelay $0x1  }
0x109: {  	[sflag:s14] =	ssyncset.done $0x0  }
0x10a: {  	[sflag:s14] =	ssyncadd.s32 $0xFFFFD800  }
0x10b: {  	_ =	sfence.sel $0x180000  }
0x10c: {  	[bflag:$0x0] =	sbarrier.arrive $0xFFFF  }
0x10d: {  	_ =	strace $0x9000004A  }
0x10e: {  	s0 =	stileid.u32;
	[bflag:$0x2] =	sbarrier.arrive $0xFFFF  }
0x10f: {  	p0 =	sne.s32 s0, $0x0;
	s0 =	rddreg [dreg:$0x2]  }
0x110: {  	s0 =	sadd.s32 @!p0 $0x100000, s0  }
0x111: {  	[sflag:s0] =	ssyncadd.tile.s32 @!p0 $0x1;
	_ =	shalt  }
.Lfunc_end2:
_tile_overlayer_lowered:
.L_overlay_start_2:
0x112: {  	(tag) =	ssettag $0x2  }
0x113: {  	s0 =	rddreg [dreg:$0x0];
	s2 =	stileid.u32  }
0x114: {  	s1 =	rddreg [dreg:$0x1];
	p0 =	sne.s32 s2, $0x0  }
0x115: {  	s3 =	rddreg [dreg:$0x2];
	[bflag:$0x3] =	sbarrier.arrive $0xFFFF;
	s2 =	simm.s32 @!p0 $0x1C04  }
0x116: {  	[timem:s3], [sflag:s2] =	dma.local @!p0 [hbm:s0], s1  }
0x117: {  	s0 =	simm.s32 @!p0 $0x4  }
0x118: {  	_ =	swait.ge @!p0 [sflag:s0], s1  }
0x119: {  	s1 =	ssub.s32 @!p0 $0x0, s1;
	[sflag:s0] =	ssyncset.done @!p0 $0x0  }
0x11a: {  	[sflag:s0] =	ssyncadd.s32 @!p0 s1  }
0x11b: {  	[bflag:$0x3] =	sbarrier.arrive $0xFFFF  }
0x11c: {  	_ =	shalt  }

// kernel: kernel.14.cloned.1.call-start
scs
__scs_entry_jumppad:
0x0: {  	(pc) =	sbr.rel $0x88, $3  }
0x1: {  	(tag) =	ssettag $0x0;
	lr =	simm.s32 $0x1  }
0x2: {  	[smem:$0x3F9A] =	sst lr;
	_ =	strace $0xD0000000  }
0x3: {  	_ = 	snop  }
0x4: {  	_ = 	snop  }
0x5: {  	_ = 	snop  }
0x6: {  	_ = 	snop  }
0x7: {  	_ = 	snop  }
__scs_overlays_trampoline_lowered:
0x8: {  	[smem:$0x3FA9] =	sst s0  }
0x9: {  	[smem:$0x3FAA] =	sst s1  }
0xa: {  	[smem:$0x3FAB] =	sst s2  }
0xb: {  	[smem:$0x3FAC] =	sst s3  }
0xc: {  	[smem:$0x3FAD] =	sst s4  }
0xd: {  	[smem:$0x3FAE] =	sst s5  }
0xe: {  	[smem:$0x3FAF] =	sst s6  }
0xf: {  	[smem:$0x3FB0] =	sst s7  }
0x10: {  	[smem:$0x3FB1] =	sst s8  }
0x11: {  	[smem:$0x3FB2] =	sst s9;
	s0 =	simm.s32 @!p0 $0x0  }
0x12: {  	s1 =	sld [smem:$0x3F98];
	s0 =	simm.s32 @p0 $0x1  }
0x13: {  	[smem:$0x3FB3] =	sst s0;
	s0 =	simm.s32 @!p1 $0x0  }
0x14: {  	s2 =	sld [smem:$0x3F97];
	s0 =	simm.s32 @p1 $0x1  }
0x15: {  	[smem:$0x3FB4] =	sst s0;
	s0 =	simm.s32 @!p2 $0x0  }
0x16: {  	s3 =	sld [smem:$0x3FDB];
	s0 =	simm.s32 @p2 $0x1  }
0x17: {  	s4 =	simm.s32 $0x1BF5;
	[smem:$0x3FB6] =	sst s0  }
0x18: {  	s0 =	sld [smem:$0x3F99];
	_ =	swait.ge [sflag:s4], $0x0  }
0x19: {  	s7 =	sld [smem:$0x3F9A]  }
0x1a: {  	s8 =	sadd.s32 $0xFFFFE003, lr  }
0x1b: {  	s9 =	sadd.s32 $0xFFFFFEF7, lr;
	s5 =	simm.s32 $0xFFFFFFFF;
	p2 =	slt.u32 s8, $0xFFFFF086  }
0x1c: {  	p1 =	slt.u32 s9, $0xF7A;
	s5 =	simm.s32 @!p2 $0x0  }
0x1d: {  	s5 =	simm.s32 @p1 $0x1;
	p0 =	seq.s32 s7, s2  }
0x1e: {  	s7 =	smul.u32 @!p0 $0xF7A, s2;
	p2 =	seq.s32 @!p0 s5, $0x0  }
0x1f: {  	s9 =	smul.u32 $0xF7A, s1;
	s8 =	simm.s32 @!p0 $0x1BF5;
	p2 =	por !p2, p0  }
0x20: {  	[sflag:s8] =	ssyncset.s32 @!p0 $0xFFFFF086;
	s6 =	sadd.s32 @!p0 s3, s7;
	s7 =	simm.s32 @!p0 $0x108  }
0x21: {  	s3 =	sadd.s32 s3, s9;
	s6 =	sadd.s32 @!p0 $0x88, s6;
	s7 =	simm.s32 @p2 $0x1082  }
0x22: {  	[simem:s7], [sflag:s8] =	dma.local @!p0 [hbm:s6], $0xF7A  }
0x23: {  	s9 =	sor.u32 $0xD0000000, s2;
	s6 =	simm.s32 $0x108;
	_ =	swait.ge @!p0 [sflag:s8], $0x0  }
0x24: {  	s3 =	sadd.s32 $0x88, s3;
	s6 =	simm.s32 @!p1 $0x1082;
	[sflag:s4] =	ssyncset.s32 $0xFFFFF086  }
0x25: {  	[simem:s6], [sflag:s4] =	dma.local [hbm:s3], $0xF7A  }
0x26: {  	[smem:$0x3F9A] =	sst s1;
	(tag) =	ssettag s2;
	_ =	strace s9  }
0x27: {  	s1 =	sld [smem:$0x3FAA]  }
0x28: {  	s2 =	sld [smem:$0x3FAB]  }
0x29: {  	s4 =	sld [smem:$0x3FAD]  }
0x2a: {  	p0 =	seq.s32 s5, $0x0;
	s5 =	sld [smem:$0x3FAE]  }
0x2b: {  	s6 =	sld [smem:$0x3FAF]  }
0x2c: {  	s7 =	sld [smem:$0x3FB0]  }
0x2d: {  	s3 =	simm.s32 $0x108;
	s8 =	sld [smem:$0x3FB1]  }
0x2e: {  	s3 =	simm.s32 @!p0 $0x1082;
	s9 =	sld [smem:$0x3FB2]  }
0x2f: {  	lr =	sadd.s32 s0, s3;
	s0 =	sld [smem:$0x3FA9]  }
0x30: {  	s3 =	sld [smem:$0x3FAC]  }
0x31: {  	[smem:$0x3FB5] =	sst s10  }
0x32: {  	s10 =	sld [smem:$0x3FB3];
	_ =	sdelay $0x3  }
0x33: {  	p0 =	seq.s32 s10, $0x1;
	s10 =	sld [smem:$0x3FB5];
	_ =	sdelay $0x3  }
0x34: {  	[smem:$0x3FB5] =	sst s10  }
0x35: {  	s10 =	sld [smem:$0x3FB4];
	_ =	sdelay $0x3  }
0x36: {  	p1 =	seq.s32 s10, $0x1;
	s10 =	sld [smem:$0x3FB5];
	_ =	sdelay $0x3  }
0x37: {  	[smem:$0x3FB5] =	sst s10  }
0x38: {  	s10 =	sld [smem:$0x3FB6]  }
0x39: {  	_ = 	snop;
	(pc) =	sbr.ind lr, $3  }
0x3a: {  	_ = 	snop  }
0x3b: {  	_ = 	snop  }
0x3c: {  	p2 =	seq.s32 s10, $0x1;
	s10 =	sld [smem:$0x3FB5]  }
0x3d: {  	_ =	shalt  }
0x3e: {  	_ =	shalt  }
0x3f: {  	_ =	shalt  }
0x40: {  	_ =	shalt  }
0x41: {  	_ =	shalt  }
0x42: {  	_ =	shalt  }
0x43: {  	_ =	shalt  }
0x44: {  	_ =	shalt  }
0x45: {  	_ =	shalt  }
0x46: {  	_ =	shalt  }
0x47: {  	_ =	shalt  }
0x48: {  	_ =	shalt  }
0x49: {  	_ =	shalt  }
0x4a: {  	_ =	shalt  }
0x4b: {  	_ =	shalt  }
0x4c: {  	_ =	shalt  }
0x4d: {  	_ =	shalt  }
0x4e: {  	_ =	shalt  }
0x4f: {  	_ =	shalt  }
0x50: {  	_ =	shalt  }
0x51: {  	_ =	shalt  }
0x52: {  	_ =	shalt  }
0x53: {  	_ =	shalt  }
0x54: {  	_ =	shalt  }
0x55: {  	_ =	shalt  }
0x56: {  	_ =	shalt  }
0x57: {  	_ =	shalt  }
0x58: {  	_ =	shalt  }
0x59: {  	_ =	shalt  }
0x5a: {  	_ =	shalt  }
0x5b: {  	_ =	shalt  }
0x5c: {  	_ =	shalt  }
0x5d: {  	_ =	shalt  }
0x5e: {  	_ =	shalt  }
0x5f: {  	_ =	shalt  }
0x60: {  	_ =	shalt  }
0x61: {  	_ =	shalt  }
0x62: {  	_ =	shalt  }
0x63: {  	_ =	shalt  }
0x64: {  	_ =	shalt  }
0x65: {  	_ =	shalt  }
0x66: {  	_ =	shalt  }
0x67: {  	_ =	shalt  }
0x68: {  	_ =	shalt  }
0x69: {  	_ =	shalt  }
0x6a: {  	_ =	shalt  }
0x6b: {  	_ =	shalt  }
0x6c: {  	_ =	shalt  }
0x6d: {  	_ =	shalt  }
0x6e: {  	_ =	shalt  }
0x6f: {  	_ =	shalt  }
0x70: {  	_ =	shalt  }
0x71: {  	_ =	shalt  }
0x72: {  	_ =	shalt  }
0x73: {  	_ =	shalt  }
0x74: {  	_ =	shalt  }
0x75: {  	_ =	shalt  }
0x76: {  	_ =	shalt  }
0x77: {  	_ =	shalt  }
0x78: {  	_ =	shalt  }
0x79: {  	_ =	shalt  }
0x7a: {  	_ =	shalt  }
0x7b: {  	_ =	shalt  }
0x7c: {  	_ =	shalt  }
0x7d: {  	_ =	shalt  }
0x7e: {  	_ =	shalt  }
0x7f: {  	_ =	shalt  }
0x80: {  	_ =	shalt  }
0x81: {  	_ =	shalt  }
0x82: {  	_ =	shalt  }
0x83: {  	_ =	shalt  }
0x84: {  	_ =	shalt  }
0x85: {  	_ =	shalt  }
0x86: {  	_ =	shalt  }
0x87: {  	_ =	shalt  }
.Lfunc_end0:
.L_simem_size_0:
called_computation.2_lowered:
.L_overlay_start_0:
0x88: {  	s2 =	sld [smem:$0x3FD9]  }
0x89: {  	s3 =	sld [smem:$0x3FFE];
	_ =	sdelay $0x1  }
0x8a: {  	s1 =	srdreg.scid  }
0x8b: {  	s0 =	sand.u32 $0x1, s1  }
0x8c: {  	s16 =	sshll.u32 s0, $0xA;
	s2 =	sadd.s32 s3, s2  }
0x8d: {  	s2 =	sadd.s32 s2, s16  }
0x8e: {  	[smem:$0x3FC1] =	sst s2  }
0x8f: {  	_ = 	snop  }
0x90: {  	(tm) =	ssettm $0x1  }
0x91: {  	s17 =	sld [smem:$0x3FFB];
	_ =	sdelay $0x3  }
0x92: {  	_ =	strace s17  }
0x93: {  	s2 =	sld [smem:$0x3FFC];
	_ =	sdelay $0x3  }
0x94: {  	_ =	strace s2  }
0x95: {  	s2 =	sld [smem:$0x3FFD];
	_ =	sdelay $0x3  }
0x96: {  	_ =	strace s2  }
0x97: {  	_ =	strace $0x8FFFFFFF  }
0x98: {  	s18 =	sld [smem:$0x3FDB];
	_ =	sdelay $0x1  }
0x99: {  	s19 =	simm.s32 $_scs_section_size  }
0x9a: {  	s4 =	simm.s32 $_size__tile_overlayer_lowered;
	s5 =	simm.s32 $_tile_overlayer_lowered  }
0x9b: {  	s22 =	simm.s32 $0x1BFF;
	s21 =	sshll.u32 s5, $0x1;
	s2 =	sadd.s32 s19, s18  }
0x9c: {  	s6 =	simm.s32 $0x0;
	s20 =	sshll.u32 s4, $0x1;
	s4 =	sadd.s32 s21, s2  }
0x9d: {  	[timem:s6], [sflag:s22] =	dma.local [hbm:s4], s20  }
0x9e: {  	_ =	swait.ge [sflag:s22], s20  }
0x9f: {  	s3 =	ssub.s32 $0x0, s20;
	[sflag:s22] =	ssyncset.done $0x0  }
0xa0: {  	[sflag:s22] =	ssyncadd.s32 s3;
	_ =	sdelay $0x1  }
0xa1: {  	s23 =	simm.s32 $0x1B8B  }
0xa2: {  	_ =	swait.ge [sflag:s23], $0x1  }
0xa3: {  	[sflag:s23] =	ssyncset.done $0x0  }
0xa4: {  	s25 =	simm.s32 $0x1B8E;
	s24 =	sld [smem:$0x3FFE];
	[sflag:s23] =	ssyncadd.s32 $0xFFFFFFFF  }
0xa5: {  	s26 =	simm.s32 $execute0_lowered;
	[smem:$0x3FD2] =	sst s25  }
0xa6: {  	s4 =	sshll.u32 s26, $0x1;
	_ =	strace $0x8000004C;
	[dreg:$0x1] =	wrdreg $0xFFFFFFFF  }
0xa7: {  	s28 =	simm.s32 $_size_execute0_lowered;
	s2 =	sadd.s32 s2, s4;
	[dreg:$0x0] =	wrdreg $0x0  }
0xa8: {  	s4 =	sshll.u32 s28, $0x1;
	[dreg:$0x2] =	wrdreg s2  }
0xa9: {  	[dreg:$0x3] =	wrdreg s4  }
0xaa: {  	[dreg:$0x4] =	wrdreg $0xC0  }
0xab: {  	_ =	task [dreg:s6], $0x5FFFF  }
0xac: {  	[dreg:$0x1] =	wrdreg $0xFFFFFFFF  }
0xad: {  	[dreg:$0x0] =	wrdreg $0x60  }
0xae: {  	[dreg:$0x2] =	wrdreg s24  }
0xaf: {  	[dreg:$0x3] =	wrdreg $0xA4000  }
0xb0: {  	[dreg:$0x4] =	wrdreg $0x9  }
0xb1: {  	_ =	task.clear_ibuf [dreg:s6], $0x5FFFF;
	_ =	strace $0x9000004C  }
0xb2: {  	s29 =	simm.s32 $0x9;
	_ =	strace $0x8000004E  }
0xb3: {  	_ =	swait.ge [sflag:s29], $0x1  }
0xb4: {  	[sflag:s29] =	ssyncadd.s32 $0xFFFFFFFF  }
0xb5: {  	_ =	strace $0x9000004E  }
0xb6: {  	_ =	sfence  }
0xb7: {  	s30 =	sld [smem:$0x0];
	_ =	sdelay $0x2  }
0xb8: {  	s31 =	sshll.u32 s1, $0xD;
	s1 =	sshrl.u32 s1, $0x2  }
0xb9: {  	s3 =	sand.u32 $0x4000, s31;
	s1 =	sadd.s32 s1, s30  }
0xba: {  	s0 =	sor.u32 s3, s0;
	s1 =	sshll.u32 s1, $0x11  }
0xbb: {  	s0 =	sor.u32 s1, s0  }
0xbc: {  	s0 =	sadd.s32 $0x8F2B, s0  }
0xbd: {  	[sflag:s0] =	ssyncadd.remote.s32 $0x1  }
0xbe: {  	_ =	sfence.sel $0xFFFF  }
0xbf: {  	[dreg:$0x0] =	wrdreg $0xFFFFFFFF;
	(pc) =	sbr.abs _section_cstart, $3  }
0xc0: {  	[dreg:$0x1] =	wrdreg $0xFFFFFFFF  }
0xc1: {  	_ =	task.clear_ibuf [dreg:s6], $0x2FFFF;
	_ =	strace $0x9FFFFFFF  }
0xc2: {  	(tm) =	ssettm $0x7FFFFFFF  }
0xc3: {  	_ =	shalt  }
tec
execute0_lowered:
.L_overlay_start_1:
0x0: {  	(tag) =	ssettag $0x1  }
0x1: {  	s0 =	rddreg [dreg:$0x0]  }
0x2: {  	s1 =	rddreg [dreg:$0x1]  }
0x3: {  	s3 =	simm.s32 $0x0;
	s2 =	srdreg.scid;
	s10 =	stileid.u32  }
0x4: {  	s28 =	simm.s32 $0x3;
	s29 =	simm.s32 $0x5400;
	s30 =	simm.s32 $0x7C00  }
0x5: {  	s31 =	simm.s32 $0x0;
	[smem:$0x7FF] =	sst s3;
	s6 =	smul.u32 $0x14000, s10  }
0x6: {  	s2 =	sand.u32 $0x1, s2;
	s12 =	sadd.s32 $0x5F400, s0;
	s7 =	smul.u32 $0x50000, s10  }
0x7: {  	s11 =	sadd.s32 $0x2600, s0;
	s4 =	sadd.s32 $0xEE00, s0;
	s8 =	smul.u32 $0x2800, s10  }
0x8: {  	s9 =	sadd.s32 $0xC600, s0;
	s17 =	sshll.u32 s10, $0x6;
	s5 =	smul.u32 $0x140000, s2  }
0x9: {  	_ =	strace $0x8000004D;
	s13 =	smul.u32 $0x28000, s2;
	s2 =	ssub.s32 $0x2, s2  }
0xa: {  	[dreg:$0x7] =	wrdreg s9;
	s14 =	sshrl.u32 s2, $0x1;
	s15 =	sshrl.u32 s7, $0x2  }
0xb: {  	s5 =	sadd.s32 s6, s5;
	s2 =	ssub.s32 s2, s14;
	s16 =	sadd.s32 s8, s13  }
0xc: {  	s6 =	sor.u32 $0x1C04, s17;
	s14 =	simm.s32 $0x4;
	s17 =	simm.s32 $0x180  }
0xd: {  	s5 =	sshrl.u32 s5, $0x3;
	s18 =	sshrl.u32 s16, $0x3;
	s20 =	sor.u32 $0xF0, s16  }
0xe: {  	s2 =	smax.u32 s2, $0x1;
	s23 =	sor.u32 $0xA0, s16;
	s25 =	sor.u32 $0x50, s16  }
0xf: {  	s16 =	simm.s32 $0x100;
	s0 =	sadd.s32 s5, s0;
	s5 =	sadd.s32 s15, s1  }
0x10: {  	s19 =	sadd.s32 s18, s11;
	s21 =	sadd.s32 s18, s12;
	s10 =	sshrl.u32 s20, $0x3  }
0x11: {  	[dreg:$0x9] =	wrdreg s2;
	s26 =	sshrl.u32 s25, $0x3;
	s15 =	simm.s32 $0x80  }
0x12: {  	s18 =	simm.s32 $0x200;
	s20 =	simm.s32 $0x300;
	[dreg:$0x3] =	wrdreg s19  }
0x13: {  	s25 =	simm.s32 $0x2;
	s0 =	sadd.s32 $0x69400, s0;
	[dreg:$0x4] =	wrdreg s21  }
0x14: {  	s22 =	sadd.s32 s10, s11;
	s24 =	sadd.s32 s10, s12;
	[dreg:$0x8] =	wrdreg s0  }
0x15: {  	s2 =	sshrl.u32 s5, $0x3;
	s19 =	simm.s32 $0x280;
	[dreg:$0x5] =	wrdreg s22  }
0x16: {  	s21 =	simm.s32 $0x380;
	s0 =	sshrl.u32 s23, $0x3;
	[dreg:$0x6] =	wrdreg s24  }
0x17: {  	s22 =	simm.s32 $0x1;
	s23 =	simm.s32 $0x50;
	s24 =	simm.s32 $0x400  }
0x18: {  	[dreg:$0xa] =	wrdreg s2;
	s9 =	sadd.s32 s0, s11;
	s10 =	sadd.s32 s0, s12  }
0x19: {  	s11 =	sadd.s32 s26, s11;
	s12 =	sadd.s32 s26, s12;
	s26 =	simm.s32 $0x2C00  }
.LBB2_1:
0x1a: {  	s0 =	rddreg [dreg:$0x7]  }
0x1b: {  	[spmem:s2], [sflag:s6] =	dma.local [hbm:s0], $0x2800  }
0x1c: {  	_ =	swait.ge [sflag:s14], $0x2800  }
0x1d: {  	[sflag:s14] =	ssyncset.done $0x0  }
0x1e: {  	[sflag:s14] =	ssyncadd.s32 $0xFFFFD800  }
0x1f: {  	[bflag:$0x0] =	sbarrier.arrive $0xFFFF  }
0x20: {  	s2 =	rddreg [dreg:$0x4]  }
0x21: {  	s0 =	sadd.s32 $0x0, s2  }
0x22: {  	[tilespmem:s3], [sflag:$0x1] =	stream.linear.gather [hbm4b:s0+s3], $0x50, $0x38;
	[tilespmem:$0x1E400] =	vst v63  }
0x23: {  	s5 =	sadd.s32 $0x0, s12  }
0x24: {  	[tilespmem:s15], [sflag:$0x1] =	stream.linear.gather [hbm4b:s5+s3], $0x50, $0x38;
	[tilespmem:$0x1E400] =	vst v63  }
0x25: {  	s13 =	smov.u32 s6;
	s7 =	sadd.s32 $0x0, s10;
	s6 =	rddreg [dreg:$0x6]  }
0x26: {  	[tilespmem:s16], [sflag:$0x1] =	stream.linear.gather [hbm4b:s7+s3], $0x50, $0x38;
	[tilespmem:$0x1E400] =	vst v63  }
0x27: {  	s8 =	sadd.s32 $0x0, s6;
	s5 =	rddreg [dreg:$0x3]  }
0x28: {  	[tilespmem:s17], [sflag:$0x1] =	stream.linear.gather [hbm4b:s8+s3], $0x50, $0x38;
	[tilespmem:$0x1E400] =	vst v63  }
0x29: {  	s2 =	sadd.s32 $0x0, s5  }
0x2a: {  	[tilespmem:s18], [sflag:$0x1] =	stream.linear.gather [hbm4b:s2+s3], $0x50, $0x38;
	[tilespmem:$0x1E400] =	vst v63  }
0x2b: {  	s5 =	sadd.s32 $0x0, s11  }
0x2c: {  	[tilespmem:s19], [sflag:$0x1] =	stream.linear.gather [hbm4b:s5+s3], $0x50, $0x38;
	[tilespmem:$0x1E400] =	vst v63  }
0x2d: {  	s6 =	rddreg [dreg:$0x5];
	s7 =	sadd.s32 $0x0, s9  }
0x2e: {  	[tilespmem:s20], [sflag:$0x1] =	stream.linear.gather [hbm4b:s7+s3], $0x50, $0x38;
	[tilespmem:$0x1E400] =	vst v63  }
0x2f: {  	s8 =	sadd.s32 $0x0, s6  }
0x30: {  	[tilespmem:s21], [sflag:$0x1] =	stream.linear.gather [hbm4b:s8+s3], $0x50, $0x38;
	[tilespmem:$0x1E400] =	vst v63  }
0x31: {  	_ =	swait.ge [sflag:s22], $0x50  }
0x32: {  	[sflag:s22] =	ssyncset.done $0x0  }
0x33: {  	[sflag:s22] =	ssyncadd.s32 $0xFFFFFFB0  }
0x34: {  	_ =	swait.ge [sflag:s22], $0x50  }
0x35: {  	[sflag:s22] =	ssyncset.done $0x0  }
0x36: {  	[sflag:s22] =	ssyncadd.s32 $0xFFFFFFB0  }
0x37: {  	_ =	swait.ge [sflag:s22], $0x50  }
0x38: {  	[sflag:s22] =	ssyncset.done $0x0  }
0x39: {  	[sflag:s22] =	ssyncadd.s32 $0xFFFFFFB0  }
0x3a: {  	_ =	swait.ge [sflag:s22], $0x50  }
0x3b: {  	[sflag:s22] =	ssyncset.done $0x0  }
0x3c: {  	[sflag:s22] =	ssyncadd.s32 $0xFFFFFFB0  }
0x3d: {  	_ =	swait.ge [sflag:s22], $0x50  }
0x3e: {  	[sflag:s22] =	ssyncset.done $0x0  }
0x3f: {  	[sflag:s22] =	ssyncadd.s32 $0xFFFFFFB0  }
0x40: {  	_ =	swait.ge [sflag:s22], $0x50  }
0x41: {  	[sflag:s22] =	ssyncset.done $0x0  }
0x42: {  	[sflag:s22] =	ssyncadd.s32 $0xFFFFFFB0  }
0x43: {  	_ =	swait.ge [sflag:s22], $0x50  }
0x44: {  	[sflag:s22] =	ssyncset.done $0x0  }
0x45: {  	[sflag:s22] =	ssyncadd.s32 $0xFFFFFFB0  }
0x46: {  	_ =	swait.ge [sflag:s22], $0x50  }
0x47: {  	[sflag:s22] =	ssyncset.done $0x0  }
0x48: {  	[sflag:s22] =	ssyncadd.s32 $0xFFFFFFB0  }
0x49: {  	[tilespmem:s24], [sflag:$0x2] =	stream.indirect.gather [hbm4b:s4+s23], $0x80, s3, s23, $0xb8;
	[tilespmem:$0x1E400] =	vst v63  }
0x4a: {  	_ =	swait.ge [sflag:s25], $0x2800  }
0x4b: {  	[sflag:s25] =	ssyncset.done $0x0  }
0x4c: {  	[sflag:s25] =	ssyncadd.s32 $0xFFFFD800  }
0x4d: {  	[tilespmem:s26], [sflag:$0x2] =	stream.indirect.gather [hbm4b:s4+s23], $0x80, s15, s23, $0xb8;
	[tilespmem:$0x1E400] =	vst v63  }
0x4e: {  	_ = 	snop  }
0x4f: {  	[spmem:s1] =	stream.indirect.scatter.add.f32 [tilespmem:s24], [sflag:$0x3], $0x80, s18, s23, $0xb8;
	[tilespmem:$0x1E400] =	vst v63  }
0x50: {  	_ =	swait.ge [sflag:s28], $0x2800  }
0x51: {  	[sflag:s28] =	ssyncset.done $0x0  }
0x52: {  	[sflag:s28] =	ssyncadd.s32 $0xFFFFD800  }
0x53: {  	_ =	swait.ge [sflag:s25], $0x2800  }
0x54: {  	[sflag:s25] =	ssyncset.done $0x0  }
0x55: {  	[sflag:s25] =	ssyncadd.s32 $0xFFFFD800  }
0x56: {  	[tilespmem:s29], [sflag:$0x2] =	stream.indirect.gather [hbm4b:s4+s23], $0x80, s16, s23, $0xb8;
	[tilespmem:$0x1E400] =	vst v63  }
0x57: {  	_ = 	snop  }
0x58: {  	[spmem:s1] =	stream.indirect.scatter.add.f32 [tilespmem:s26], [sflag:$0x3], $0x80, s19, s23, $0xb8;
	[tilespmem:$0x1E400] =	vst v63  }
0x59: {  	_ =	swait.ge [sflag:s28], $0x2800  }
0x5a: {  	[sflag:s28] =	ssyncset.done $0x0  }
0x5b: {  	[sflag:s28] =	ssyncadd.s32 $0xFFFFD800  }
0x5c: {  	_ =	swait.ge [sflag:s25], $0x2800  }
0x5d: {  	[sflag:s25] =	ssyncset.done $0x0  }
0x5e: {  	[sflag:s25] =	ssyncadd.s32 $0xFFFFD800  }
0x5f: {  	[tilespmem:s30], [sflag:$0x2] =	stream.indirect.gather [hbm4b:s4+s23], $0x80, s17, s23, $0xb8;
	[tilespmem:$0x1E400] =	vst v63  }
0x60: {  	_ = 	snop  }
0x61: {  	[spmem:s1] =	stream.indirect.scatter.add.f32 [tilespmem:s29], [sflag:$0x3], $0x80, s20, s23, $0xb8;
	[tilespmem:$0x1E400] =	vst v63  }
0x62: {  	_ =	swait.ge [sflag:s28], $0x2800  }
0x63: {  	[sflag:s28] =	ssyncset.done $0x0  }
0x64: {  	[sflag:s28] =	ssyncadd.s32 $0xFFFFD800  }
0x65: {  	_ =	swait.ge [sflag:s25], $0x2800  }
0x66: {  	[sflag:s25] =	ssyncset.done $0x0  }
0x67: {  	[sflag:s25] =	ssyncadd.s32 $0xFFFFD800  }
0x68: {  	[spmem:s1] =	stream.indirect.scatter.add.f32 [tilespmem:s30], [sflag:$0x3], $0x80, s21, s23, $0xb8;
	[tilespmem:$0x1E400] =	vst v63  }
0x69: {  	s0 =	simm.s32 $0x28;
	_ =	swait.ge [sflag:s28], $0x2800  }
0x6a: {  	s2 =	simm.s32 $0x50;
	s5 =	rddreg [dreg:$0x4];
	[sflag:s28] =	ssyncset.done $0x0  }
.LBB2_2:
0x6b: {  	[sflag:s28] =	ssyncadd.s32 $0xFFFFD800;
	s5 =	sadd.s32 s0, s5  }
0x6c: {  	[tilespmem:s3], [sflag:$0x1] =	stream.linear.gather [hbm4b:s5+s3], $0x50, $0x38;
	[tilespmem:$0x1E400] =	vst v63  }
0x6d: {  	s6 =	sadd.s32 s0, s12  }
0x6e: {  	[tilespmem:s15], [sflag:$0x1] =	stream.linear.gather [hbm4b:s6+s3], $0x50, $0x38;
	[tilespmem:$0x1E400] =	vst v63  }
0x6f: {  	s8 =	rddreg [dreg:$0x6];
	s5 =	sadd.s32 s0, s10  }
0x70: {  	[tilespmem:s16], [sflag:$0x1] =	stream.linear.gather [hbm4b:s5+s3], $0x50, $0x38;
	[tilespmem:$0x1E400] =	vst v63  }
0x71: {  	s8 =	sadd.s32 s0, s8;
	s6 =	rddreg [dreg:$0x3]  }
0x72: {  	[tilespmem:s17], [sflag:$0x1] =	stream.linear.gather [hbm4b:s8+s3], $0x50, $0x38;
	[tilespmem:$0x1E400] =	vst v63  }
0x73: {  	s6 =	sadd.s32 s0, s6  }
0x74: {  	[tilespmem:s18], [sflag:$0x1] =	stream.linear.gather [hbm4b:s6+s3], $0x50, $0x38;
	[tilespmem:$0x1E400] =	vst v63  }
0x75: {  	s8 =	sadd.s32 s0, s11  }
0x76: {  	[tilespmem:s19], [sflag:$0x1] =	stream.linear.gather [hbm4b:s8+s3], $0x50, $0x38;
	[tilespmem:$0x1E400] =	vst v63  }
0x77: {  	s6 =	rddreg [dreg:$0x5];
	s8 =	sadd.s32 s0, s9  }
0x78: {  	[tilespmem:s20], [sflag:$0x1] =	stream.linear.gather [hbm4b:s8+s3], $0x50, $0x38;
	[tilespmem:$0x1E400] =	vst v63  }
0x79: {  	s8 =	sadd.s32 s0, s6  }
0x7a: {  	[tilespmem:s21], [sflag:$0x1] =	stream.linear.gather [hbm4b:s8+s3], $0x50, $0x38;
	[tilespmem:$0x1E400] =	vst v63  }
0x7b: {  	_ =	swait.ge [sflag:s22], $0x50  }
0x7c: {  	[sflag:s22] =	ssyncset.done $0x0  }
0x7d: {  	[sflag:s22] =	ssyncadd.s32 $0xFFFFFFB0  }
0x7e: {  	_ =	swait.ge [sflag:s22], $0x50  }
0x7f: {  	[sflag:s22] =	ssyncset.done $0x0  }
0x80: {  	[sflag:s22] =	ssyncadd.s32 $0xFFFFFFB0  }
0x81: {  	_ =	swait.ge [sflag:s22], $0x50  }
0x82: {  	[sflag:s22] =	ssyncset.done $0x0  }
0x83: {  	[sflag:s22] =	ssyncadd.s32 $0xFFFFFFB0  }
0x84: {  	_ =	swait.ge [sflag:s22], $0x50  }
0x85: {  	[sflag:s22] =	ssyncset.done $0x0  }
0x86: {  	[sflag:s22] =	ssyncadd.s32 $0xFFFFFFB0  }
0x87: {  	_ =	swait.ge [sflag:s22], $0x50  }
0x88: {  	[sflag:s22] =	ssyncset.done $0x0  }
0x89: {  	[sflag:s22] =	ssyncadd.s32 $0xFFFFFFB0  }
0x8a: {  	_ =	swait.ge [sflag:s22], $0x50  }
0x8b: {  	[sflag:s22] =	ssyncset.done $0x0  }
0x8c: {  	[sflag:s22] =	ssyncadd.s32 $0xFFFFFFB0  }
0x8d: {  	_ =	swait.ge [sflag:s22], $0x50  }
0x8e: {  	[sflag:s22] =	ssyncset.done $0x0  }
0x8f: {  	[sflag:s22] =	ssyncadd.s32 $0xFFFFFFB0  }
0x90: {  	_ =	swait.ge [sflag:s22], $0x50  }
0x91: {  	[sflag:s22] =	ssyncset.done $0x0  }
0x92: {  	[sflag:s22] =	ssyncadd.s32 $0xFFFFFFB0  }
0x93: {  	[tilespmem:s24], [sflag:$0x2] =	stream.indirect.gather [hbm4b:s4+s23], $0x80, s3, s23, $0xb8;
	[tilespmem:$0x1E400] =	vst v63  }
0x94: {  	_ =	swait.ge [sflag:s25], $0x2800  }
0x95: {  	[sflag:s25] =	ssyncset.done $0x0  }
0x96: {  	[sflag:s25] =	ssyncadd.s32 $0xFFFFD800  }
0x97: {  	[tilespmem:s26], [sflag:$0x2] =	stream.indirect.gather [hbm4b:s4+s23], $0x80, s15, s23, $0xb8;
	[tilespmem:$0x1E400] =	vst v63  }
0x98: {  	_ = 	snop  }
0x99: {  	[spmem:s1] =	stream.indirect.scatter.add.f32 [tilespmem:s24], [sflag:$0x3], $0x80, s18, s23, $0xb8;
	[tilespmem:$0x1E400] =	vst v63  }
0x9a: {  	_ =	swait.ge [sflag:s28], $0x2800  }
0x9b: {  	[sflag:s28] =	ssyncset.done $0x0  }
0x9c: {  	[sflag:s28] =	ssyncadd.s32 $0xFFFFD800  }
0x9d: {  	_ =	swait.ge [sflag:s25], $0x2800  }
0x9e: {  	[sflag:s25] =	ssyncset.done $0x0  }
0x9f: {  	[sflag:s25] =	ssyncadd.s32 $0xFFFFD800  }
0xa0: {  	[tilespmem:s29], [sflag:$0x2] =	stream.indirect.gather [hbm4b:s4+s23], $0x80, s16, s23, $0xb8;
	[tilespmem:$0x1E400] =	vst v63  }
0xa1: {  	_ = 	snop  }
0xa2: {  	[spmem:s1] =	stream.indirect.scatter.add.f32 [tilespmem:s26], [sflag:$0x3], $0x80, s19, s23, $0xb8;
	[tilespmem:$0x1E400] =	vst v63  }
0xa3: {  	_ =	swait.ge [sflag:s28], $0x2800  }
0xa4: {  	[sflag:s28] =	ssyncset.done $0x0  }
0xa5: {  	[sflag:s28] =	ssyncadd.s32 $0xFFFFD800  }
0xa6: {  	_ =	swait.ge [sflag:s25], $0x2800  }
0xa7: {  	[sflag:s25] =	ssyncset.done $0x0  }
0xa8: {  	[sflag:s25] =	ssyncadd.s32 $0xFFFFD800  }
0xa9: {  	[tilespmem:s30], [sflag:$0x2] =	stream.indirect.gather [hbm4b:s4+s23], $0x80, s17, s23, $0xb8;
	[tilespmem:$0x1E400] =	vst v63  }
0xaa: {  	_ = 	snop  }
0xab: {  	[spmem:s1] =	stream.indirect.scatter.add.f32 [tilespmem:s29], [sflag:$0x3], $0x80, s20, s23, $0xb8;
	[tilespmem:$0x1E400] =	vst v63  }
0xac: {  	_ =	swait.ge [sflag:s28], $0x2800  }
0xad: {  	[sflag:s28] =	ssyncset.done $0x0  }
0xae: {  	[sflag:s28] =	ssyncadd.s32 $0xFFFFD800  }
0xaf: {  	p0 =	sne.s32 s2, $0x4D8;
	_ =	swait.ge [sflag:s25], $0x2800  }
.Ltmp0:
0xb0: {  	[sflag:s25] =	ssyncset.done $0x0;
	(pc) =	sbr.rel @p0 .LBB2_2-.Ltmp0, $4  }
0xb1: {  	[sflag:s25] =	ssyncadd.s32 $0xFFFFD800  }
0xb2: {  	[spmem:s1] =	stream.indirect.scatter.add.f32 [tilespmem:s30], [sflag:$0x3], $0x80, s21, s23, $0xb8;
	[tilespmem:$0x1E400] =	vst v63  }
0xb3: {  	s7 =	smov.u32 s2;
	s2 =	sadd.s32 $0x28, s2;
	_ =	swait.ge [sflag:s28], $0x2800  }
0xb4: {  	s0 =	smov.u32 s7;
	s5 =	rddreg [dreg:$0x4];
	[sflag:s28] =	ssyncset.done $0x0  }
0xb5: {  	[sflag:s28] =	ssyncadd.s32 $0xFFFFD800;
	s2 =	sadd.s32 s0, s5  }
0xb6: {  	[tilespmem:s3], [sflag:$0x1] =	stream.linear.gather [hbm4b:s2+s3], $0x50, $0x38;
	[tilespmem:$0x1E400] =	vst v63  }
0xb7: {  	s5 =	sadd.s32 s0, s12  }
0xb8: {  	[tilespmem:s15], [sflag:$0x1] =	stream.linear.gather [hbm4b:s5+s3], $0x50, $0x38;
	[tilespmem:$0x1E400] =	vst v63  }
0xb9: {  	s6 =	rddreg [dreg:$0x6];
	s7 =	sadd.s32 s0, s10  }
0xba: {  	[tilespmem:s16], [sflag:$0x1] =	stream.linear.gather [hbm4b:s7+s3], $0x50, $0x38;
	[tilespmem:$0x1E400] =	vst v63  }
0xbb: {  	s8 =	rddreg [dreg:$0x3];
	s2 =	sadd.s32 s0, s6  }
0xbc: {  	[tilespmem:s17], [sflag:$0x1] =	stream.linear.gather [hbm4b:s2+s3], $0x50, $0x38;
	[tilespmem:$0x1E400] =	vst v63  }
0xbd: {  	s6 =	sadd.s32 s0, s8  }
0xbe: {  	[tilespmem:s18], [sflag:$0x1] =	stream.linear.gather [hbm4b:s6+s3], $0x50, $0x38;
	[tilespmem:$0x1E400] =	vst v63  }
0xbf: {  	s7 =	sadd.s32 s0, s11  }
0xc0: {  	[tilespmem:s19], [sflag:$0x1] =	stream.linear.gather [hbm4b:s7+s3], $0x50, $0x38;
	[tilespmem:$0x1E400] =	vst v63  }
0xc1: {  	s8 =	rddreg [dreg:$0x5];
	s6 =	sadd.s32 s0, s9  }
0xc2: {  	[tilespmem:s20], [sflag:$0x1] =	stream.linear.gather [hbm4b:s6+s3], $0x50, $0x38;
	[tilespmem:$0x1E400] =	vst v63  }
0xc3: {  	s7 =	sadd.s32 s0, s8  }
0xc4: {  	[tilespmem:s21], [sflag:$0x1] =	stream.linear.gather [hbm4b:s7+s3], $0x50, $0x38;
	[tilespmem:$0x1E400] =	vst v63  }
0xc5: {  	_ =	swait.ge [sflag:s22], $0x50  }
0xc6: {  	[sflag:s22] =	ssyncset.done $0x0  }
0xc7: {  	[sflag:s22] =	ssyncadd.s32 $0xFFFFFFB0  }
0xc8: {  	_ =	swait.ge [sflag:s22], $0x50  }
0xc9: {  	[sflag:s22] =	ssyncset.done $0x0  }
0xca: {  	[sflag:s22] =	ssyncadd.s32 $0xFFFFFFB0  }
0xcb: {  	_ =	swait.ge [sflag:s22], $0x50  }
0xcc: {  	[sflag:s22] =	ssyncset.done $0x0  }
0xcd: {  	[sflag:s22] =	ssyncadd.s32 $0xFFFFFFB0  }
0xce: {  	_ =	swait.ge [sflag:s22], $0x50  }
0xcf: {  	[sflag:s22] =	ssyncset.done $0x0  }
0xd0: {  	[sflag:s22] =	ssyncadd.s32 $0xFFFFFFB0  }
0xd1: {  	_ =	swait.ge [sflag:s22], $0x50  }
0xd2: {  	[sflag:s22] =	ssyncset.done $0x0  }
0xd3: {  	[sflag:s22] =	ssyncadd.s32 $0xFFFFFFB0  }
0xd4: {  	_ =	swait.ge [sflag:s22], $0x50  }
0xd5: {  	[sflag:s22] =	ssyncset.done $0x0  }
0xd6: {  	[sflag:s22] =	ssyncadd.s32 $0xFFFFFFB0  }
0xd7: {  	_ =	swait.ge [sflag:s22], $0x50  }
0xd8: {  	[sflag:s22] =	ssyncset.done $0x0  }
0xd9: {  	[sflag:s22] =	ssyncadd.s32 $0xFFFFFFB0  }
0xda: {  	_ =	swait.ge [sflag:s22], $0x50  }
0xdb: {  	[sflag:s22] =	ssyncset.done $0x0  }
0xdc: {  	[sflag:s22] =	ssyncadd.s32 $0xFFFFFFB0  }
0xdd: {  	[tilespmem:s24], [sflag:$0x2] =	stream.indirect.gather [hbm4b:s4+s23], $0x80, s3, s23, $0xb8;
	[tilespmem:$0x1E400] =	vst v63  }
0xde: {  	_ =	swait.ge [sflag:s25], $0x2800  }
0xdf: {  	[sflag:s25] =	ssyncset.done $0x0  }
0xe0: {  	[sflag:s25] =	ssyncadd.s32 $0xFFFFD800  }
0xe1: {  	[tilespmem:s26], [sflag:$0x2] =	stream.indirect.gather [hbm4b:s4+s23], $0x80, s15, s23, $0xb8;
	[tilespmem:$0x1E400] =	vst v63  }
0xe2: {  	_ = 	snop  }
0xe3: {  	[spmem:s1] =	stream.indirect.scatter.add.f32 [tilespmem:s24], [sflag:$0x3], $0x80, s18, s23, $0xb8;
	[tilespmem:$0x1E400] =	vst v63  }
0xe4: {  	_ =	swait.ge [sflag:s28], $0x2800  }
0xe5: {  	[sflag:s28] =	ssyncset.done $0x0  }
0xe6: {  	[sflag:s28] =	ssyncadd.s32 $0xFFFFD800  }
0xe7: {  	_ =	swait.ge [sflag:s25], $0x2800  }
0xe8: {  	[sflag:s25] =	ssyncset.done $0x0  }
0xe9: {  	[sflag:s25] =	ssyncadd.s32 $0xFFFFD800  }
0xea: {  	[tilespmem:s29], [sflag:$0x2] =	stream.indirect.gather [hbm4b:s4+s23], $0x80, s16, s23, $0xb8;
	[tilespmem:$0x1E400] =	vst v63  }
0xeb: {  	_ = 	snop  }
0xec: {  	[spmem:s1] =	stream.indirect.scatter.add.f32 [tilespmem:s26], [sflag:$0x3], $0x80, s19, s23, $0xb8;
	[tilespmem:$0x1E400] =	vst v63  }
0xed: {  	_ =	swait.ge [sflag:s28], $0x2800  }
0xee: {  	[sflag:s28] =	ssyncset.done $0x0  }
0xef: {  	[sflag:s28] =	ssyncadd.s32 $0xFFFFD800  }
0xf0: {  	_ =	swait.ge [sflag:s25], $0x2800  }
0xf1: {  	[sflag:s25] =	ssyncset.done $0x0  }
0xf2: {  	[sflag:s25] =	ssyncadd.s32 $0xFFFFD800  }
0xf3: {  	[tilespmem:s30], [sflag:$0x2] =	stream.indirect.gather [hbm4b:s4+s23], $0x80, s17, s23, $0xb8;
	[tilespmem:$0x1E400] =	vst v63  }
0xf4: {  	_ = 	snop  }
0xf5: {  	[spmem:s1] =	stream.indirect.scatter.add.f32 [tilespmem:s29], [sflag:$0x3], $0x80, s20, s23, $0xb8;
	[tilespmem:$0x1E400] =	vst v63  }
0xf6: {  	_ =	swait.ge [sflag:s28], $0x2800  }
0xf7: {  	[sflag:s28] =	ssyncset.done $0x0  }
0xf8: {  	[sflag:s28] =	ssyncadd.s32 $0xFFFFD800  }
0xf9: {  	_ =	swait.ge [sflag:s25], $0x2800  }
0xfa: {  	[sflag:s25] =	ssyncset.done $0x0  }
0xfb: {  	[sflag:s25] =	ssyncadd.s32 $0xFFFFD800  }
0xfc: {  	[spmem:s1] =	stream.indirect.scatter.add.f32 [tilespmem:s30], [sflag:$0x3], $0x80, s21, s23, $0xb8;
	[tilespmem:$0x1E400] =	vst v63  }
0xfd: {  	_ =	swait.ge [sflag:s28], $0x2800  }
0xfe: {  	[sflag:s28] =	ssyncset.done $0x0  }
0xff: {  	[sflag:s28] =	ssyncadd.s32 $0xFFFFD800  }
0x100: {  	[bflag:$0x0] =	sbarrier.arrive $0xFFFF  }
0x101: {  	s8 =	rddreg [dreg:$0x8]  }
0x102: {  	s2 =	rddreg [dreg:$0xa]  }
0x103: {  	[hbm:s8], [sflag:s13] =	dma.local [spmem:s2], $0x2800  }
0x104: {  	_ =	swait.ge [sflag:s14], $0x2800  }
0x105: {  	s31 =	sadd.s32 $0x1, s31;
	s6 =	smov.u32 s13;
	s13 =	rddreg [dreg:$0x9]  }
0x106: {  	p0 =	sne.s32 s31, s13  }
.Ltmp1:
0x107: {  	_ = 	snop;
	(pc) =	sbr.rel @p0 .LBB2_1-.Ltmp1, $3  }
0x108: {  	_ =	sdelay $0x1  }
0x109: {  	[sflag:s14] =	ssyncset.done $0x0  }
0x10a: {  	[sflag:s14] =	ssyncadd.s32 $0xFFFFD800  }
0x10b: {  	_ =	sfence.sel $0x180000  }
0x10c: {  	[bflag:$0x0] =	sbarrier.arrive $0xFFFF  }
0x10d: {  	_ =	strace $0x9000004D  }
0x10e: {  	s0 =	stileid.u32;
	[bflag:$0x2] =	sbarrier.arrive $0xFFFF  }
0x10f: {  	p0 =	sne.s32 s0, $0x0;
	s0 =	rddreg [dreg:$0x2]  }
0x110: {  	s0 =	sadd.s32 @!p0 $0x100000, s0  }
0x111: {  	[sflag:s0] =	ssyncadd.tile.s32 @!p0 $0x1;
	_ =	shalt  }
.Lfunc_end2:
_tile_overlayer_lowered:
.L_overlay_start_2:
0x112: {  	(tag) =	ssettag $0x2  }
0x113: {  	s0 =	rddreg [dreg:$0x0];
	s2 =	stileid.u32  }
0x114: {  	s1 =	rddreg [dreg:$0x1];
	p0 =	sne.s32 s2, $0x0  }
0x115: {  	s3 =	rddreg [dreg:$0x2];
	[bflag:$0x3] =	sbarrier.arrive $0xFFFF;
	s2 =	simm.s32 @!p0 $0x1C04  }
0x116: {  	[timem:s3], [sflag:s2] =	dma.local @!p0 [hbm:s0], s1  }
0x117: {  	s0 =	simm.s32 @!p0 $0x4  }
0x118: {  	_ =	swait.ge @!p0 [sflag:s0], s1  }
0x119: {  	s1 =	ssub.s32 @!p0 $0x0, s1;
	[sflag:s0] =	ssyncset.done @!p0 $0x0  }
0x11a: {  	[sflag:s0] =	ssyncadd.s32 @!p0 s1  }
0x11b: {  	[bflag:$0x3] =	sbarrier.arrive $0xFFFF  }
0x11c: {  	_ =	shalt  }

// kernel: kernel.8.cloned.1.call-start
scs
__scs_entry_jumppad:
0x0: {  	(pc) =	sbr.rel $0x88, $3  }
0x1: {  	(tag) =	ssettag $0x0;
	lr =	simm.s32 $0x1  }
0x2: {  	[smem:$0x3F9A] =	sst lr;
	_ =	strace $0xD0000000  }
0x3: {  	_ = 	snop  }
0x4: {  	_ = 	snop  }
0x5: {  	_ = 	snop  }
0x6: {  	_ = 	snop  }
0x7: {  	_ = 	snop  }
__scs_overlays_trampoline_lowered:
0x8: {  	[smem:$0x3FA9] =	sst s0  }
0x9: {  	[smem:$0x3FAA] =	sst s1  }
0xa: {  	[smem:$0x3FAB] =	sst s2  }
0xb: {  	[smem:$0x3FAC] =	sst s3  }
0xc: {  	[smem:$0x3FAD] =	sst s4  }
0xd: {  	[smem:$0x3FAE] =	sst s5  }
0xe: {  	[smem:$0x3FAF] =	sst s6  }
0xf: {  	[smem:$0x3FB0] =	sst s7  }
0x10: {  	[smem:$0x3FB1] =	sst s8  }
0x11: {  	[smem:$0x3FB2] =	sst s9;
	s0 =	simm.s32 @!p0 $0x0  }
0x12: {  	s1 =	sld [smem:$0x3F98];
	s0 =	simm.s32 @p0 $0x1  }
0x13: {  	[smem:$0x3FB3] =	sst s0;
	s0 =	simm.s32 @!p1 $0x0  }
0x14: {  	s2 =	sld [smem:$0x3F97];
	s0 =	simm.s32 @p1 $0x1  }
0x15: {  	[smem:$0x3FB4] =	sst s0;
	s0 =	simm.s32 @!p2 $0x0  }
0x16: {  	s3 =	sld [smem:$0x3FDB];
	s0 =	simm.s32 @p2 $0x1  }
0x17: {  	s4 =	simm.s32 $0x1BF5;
	[smem:$0x3FB6] =	sst s0  }
0x18: {  	s0 =	sld [smem:$0x3F99];
	_ =	swait.ge [sflag:s4], $0x0  }
0x19: {  	s7 =	sld [smem:$0x3F9A]  }
0x1a: {  	s8 =	sadd.s32 $0xFFFFE003, lr  }
0x1b: {  	s9 =	sadd.s32 $0xFFFFFEF7, lr;
	s5 =	simm.s32 $0xFFFFFFFF;
	p2 =	slt.u32 s8, $0xFFFFF086  }
0x1c: {  	p1 =	slt.u32 s9, $0xF7A;
	s5 =	simm.s32 @!p2 $0x0  }
0x1d: {  	s5 =	simm.s32 @p1 $0x1;
	p0 =	seq.s32 s7, s2  }
0x1e: {  	s7 =	smul.u32 @!p0 $0xF7A, s2;
	p2 =	seq.s32 @!p0 s5, $0x0  }
0x1f: {  	s9 =	smul.u32 $0xF7A, s1;
	s8 =	simm.s32 @!p0 $0x1BF5;
	p2 =	por !p2, p0  }
0x20: {  	[sflag:s8] =	ssyncset.s32 @!p0 $0xFFFFF086;
	s6 =	sadd.s32 @!p0 s3, s7;
	s7 =	simm.s32 @!p0 $0x108  }
0x21: {  	s3 =	sadd.s32 s3, s9;
	s6 =	sadd.s32 @!p0 $0x88, s6;
	s7 =	simm.s32 @p2 $0x1082  }
0x22: {  	[simem:s7], [sflag:s8] =	dma.local @!p0 [hbm:s6], $0xF7A  }
0x23: {  	s9 =	sor.u32 $0xD0000000, s2;
	s6 =	simm.s32 $0x108;
	_ =	swait.ge @!p0 [sflag:s8], $0x0  }
0x24: {  	s3 =	sadd.s32 $0x88, s3;
	s6 =	simm.s32 @!p1 $0x1082;
	[sflag:s4] =	ssyncset.s32 $0xFFFFF086  }
0x25: {  	[simem:s6], [sflag:s4] =	dma.local [hbm:s3], $0xF7A  }
0x26: {  	[smem:$0x3F9A] =	sst s1;
	(tag) =	ssettag s2;
	_ =	strace s9  }
0x27: {  	s1 =	sld [smem:$0x3FAA]  }
0x28: {  	s2 =	sld [smem:$0x3FAB]  }
0x29: {  	s4 =	sld [smem:$0x3FAD]  }
0x2a: {  	p0 =	seq.s32 s5, $0x0;
	s5 =	sld [smem:$0x3FAE]  }
0x2b: {  	s6 =	sld [smem:$0x3FAF]  }
0x2c: {  	s7 =	sld [smem:$0x3FB0]  }
0x2d: {  	s3 =	simm.s32 $0x108;
	s8 =	sld [smem:$0x3FB1]  }
0x2e: {  	s3 =	simm.s32 @!p0 $0x1082;
	s9 =	sld [smem:$0x3FB2]  }
0x2f: {  	lr =	sadd.s32 s0, s3;
	s0 =	sld [smem:$0x3FA9]  }
0x30: {  	s3 =	sld [smem:$0x3FAC]  }
0x31: {  	[smem:$0x3FB5] =	sst s10  }
0x32: {  	s10 =	sld [smem:$0x3FB3];
	_ =	sdelay $0x3  }
0x33: {  	p0 =	seq.s32 s10, $0x1;
	s10 =	sld [smem:$0x3FB5];
	_ =	sdelay $0x3  }
0x34: {  	[smem:$0x3FB5] =	sst s10  }
0x35: {  	s10 =	sld [smem:$0x3FB4];
	_ =	sdelay $0x3  }
0x36: {  	p1 =	seq.s32 s10, $0x1;
	s10 =	sld [smem:$0x3FB5];
	_ =	sdelay $0x3  }
0x37: {  	[smem:$0x3FB5] =	sst s10  }
0x38: {  	s10 =	sld [smem:$0x3FB6]  }
0x39: {  	_ = 	snop;
	(pc) =	sbr.ind lr, $3  }
0x3a: {  	_ = 	snop  }
0x3b: {  	_ = 	snop  }
0x3c: {  	p2 =	seq.s32 s10, $0x1;
	s10 =	sld [smem:$0x3FB5]  }
0x3d: {  	_ =	shalt  }
0x3e: {  	_ =	shalt  }
0x3f: {  	_ =	shalt  }
0x40: {  	_ =	shalt  }
0x41: {  	_ =	shalt  }
0x42: {  	_ =	shalt  }
0x43: {  	_ =	shalt  }
0x44: {  	_ =	shalt  }
0x45: {  	_ =	shalt  }
0x46: {  	_ =	shalt  }
0x47: {  	_ =	shalt  }
0x48: {  	_ =	shalt  }
0x49: {  	_ =	shalt  }
0x4a: {  	_ =	shalt  }
0x4b: {  	_ =	shalt  }
0x4c: {  	_ =	shalt  }
0x4d: {  	_ =	shalt  }
0x4e: {  	_ =	shalt  }
0x4f: {  	_ =	shalt  }
0x50: {  	_ =	shalt  }
0x51: {  	_ =	shalt  }
0x52: {  	_ =	shalt  }
0x53: {  	_ =	shalt  }
0x54: {  	_ =	shalt  }
0x55: {  	_ =	shalt  }
0x56: {  	_ =	shalt  }
0x57: {  	_ =	shalt  }
0x58: {  	_ =	shalt  }
0x59: {  	_ =	shalt  }
0x5a: {  	_ =	shalt  }
0x5b: {  	_ =	shalt  }
0x5c: {  	_ =	shalt  }
0x5d: {  	_ =	shalt  }
0x5e: {  	_ =	shalt  }
0x5f: {  	_ =	shalt  }
0x60: {  	_ =	shalt  }
0x61: {  	_ =	shalt  }
0x62: {  	_ =	shalt  }
0x63: {  	_ =	shalt  }
0x64: {  	_ =	shalt  }
0x65: {  	_ =	shalt  }
0x66: {  	_ =	shalt  }
0x67: {  	_ =	shalt  }
0x68: {  	_ =	shalt  }
0x69: {  	_ =	shalt  }
0x6a: {  	_ =	shalt  }
0x6b: {  	_ =	shalt  }
0x6c: {  	_ =	shalt  }
0x6d: {  	_ =	shalt  }
0x6e: {  	_ =	shalt  }
0x6f: {  	_ =	shalt  }
0x70: {  	_ =	shalt  }
0x71: {  	_ =	shalt  }
0x72: {  	_ =	shalt  }
0x73: {  	_ =	shalt  }
0x74: {  	_ =	shalt  }
0x75: {  	_ =	shalt  }
0x76: {  	_ =	shalt  }
0x77: {  	_ =	shalt  }
0x78: {  	_ =	shalt  }
0x79: {  	_ =	shalt  }
0x7a: {  	_ =	shalt  }
0x7b: {  	_ =	shalt  }
0x7c: {  	_ =	shalt  }
0x7d: {  	_ =	shalt  }
0x7e: {  	_ =	shalt  }
0x7f: {  	_ =	shalt  }
0x80: {  	_ =	shalt  }
0x81: {  	_ =	shalt  }
0x82: {  	_ =	shalt  }
0x83: {  	_ =	shalt  }
0x84: {  	_ =	shalt  }
0x85: {  	_ =	shalt  }
0x86: {  	_ =	shalt  }
0x87: {  	_ =	shalt  }
.Lfunc_end0:
.L_simem_size_0:
called_computation_lowered:
.L_overlay_start_0:
0x88: {  	s2 =	sld [smem:$0x3FD9]  }
0x89: {  	s3 =	sld [smem:$0x3FFE];
	_ =	sdelay $0x1  }
0x8a: {  	s1 =	srdreg.scid  }
0x8b: {  	s0 =	sand.u32 $0x1, s1  }
0x8c: {  	s16 =	sshll.u32 s0, $0xA;
	s2 =	sadd.s32 s3, s2  }
0x8d: {  	s2 =	sadd.s32 s2, s16  }
0x8e: {  	[smem:$0x3FC1] =	sst s2  }
0x8f: {  	_ = 	snop  }
0x90: {  	(tm) =	ssettm $0x1  }
0x91: {  	s17 =	sld [smem:$0x3FFB];
	_ =	sdelay $0x3  }
0x92: {  	_ =	strace s17  }
0x93: {  	s2 =	sld [smem:$0x3FFC];
	_ =	sdelay $0x3  }
0x94: {  	_ =	strace s2  }
0x95: {  	s2 =	sld [smem:$0x3FFD];
	_ =	sdelay $0x3  }
0x96: {  	_ =	strace s2  }
0x97: {  	_ =	strace $0x8FFFFFFF  }
0x98: {  	s18 =	sld [smem:$0x3FDB];
	_ =	sdelay $0x1  }
0x99: {  	s19 =	simm.s32 $_scs_section_size  }
0x9a: {  	s4 =	simm.s32 $_size__tile_overlayer_lowered;
	s5 =	simm.s32 $_tile_overlayer_lowered  }
0x9b: {  	s22 =	simm.s32 $0x1BFF;
	s21 =	sshll.u32 s5, $0x1;
	s2 =	sadd.s32 s19, s18  }
0x9c: {  	s6 =	simm.s32 $0x0;
	s20 =	sshll.u32 s4, $0x1;
	s4 =	sadd.s32 s21, s2  }
0x9d: {  	[timem:s6], [sflag:s22] =	dma.local [hbm:s4], s20  }
0x9e: {  	_ =	swait.ge [sflag:s22], s20  }
0x9f: {  	s3 =	ssub.s32 $0x0, s20;
	[sflag:s22] =	ssyncset.done $0x0  }
0xa0: {  	[sflag:s22] =	ssyncadd.s32 s3;
	_ =	sdelay $0x1  }
0xa1: {  	s23 =	simm.s32 $0x1B8B  }
0xa2: {  	_ =	swait.ge [sflag:s23], $0x1  }
0xa3: {  	[sflag:s23] =	ssyncset.done $0x0  }
0xa4: {  	s25 =	simm.s32 $0x1B8E;
	s24 =	sld [smem:$0x3FFE];
	[sflag:s23] =	ssyncadd.s32 $0xFFFFFFFF  }
0xa5: {  	s26 =	simm.s32 $execute0_lowered;
	[smem:$0x3FD2] =	sst s25  }
0xa6: {  	s4 =	sshll.u32 s26, $0x1;
	_ =	strace $0x80000046;
	[dreg:$0x1] =	wrdreg $0xFFFFFFFF  }
0xa7: {  	s28 =	simm.s32 $_size_execute0_lowered;
	s2 =	sadd.s32 s2, s4;
	[dreg:$0x0] =	wrdreg $0x0  }
0xa8: {  	s4 =	sshll.u32 s28, $0x1;
	[dreg:$0x2] =	wrdreg s2  }
0xa9: {  	[dreg:$0x3] =	wrdreg s4  }
0xaa: {  	[dreg:$0x4] =	wrdreg $0xC0  }
0xab: {  	_ =	task [dreg:s6], $0x5FFFF  }
0xac: {  	[dreg:$0x1] =	wrdreg $0xFFFFFFFF  }
0xad: {  	[dreg:$0x0] =	wrdreg $0x60  }
0xae: {  	[dreg:$0x2] =	wrdreg s24  }
0xaf: {  	[dreg:$0x3] =	wrdreg $0x2A000  }
0xb0: {  	[dreg:$0x4] =	wrdreg $0x9  }
0xb1: {  	_ =	task.clear_ibuf [dreg:s6], $0x5FFFF;
	_ =	strace $0x90000046  }
0xb2: {  	s29 =	simm.s32 $0x9;
	_ =	strace $0x80000048  }
0xb3: {  	_ =	swait.ge [sflag:s29], $0x1  }
0xb4: {  	[sflag:s29] =	ssyncadd.s32 $0xFFFFFFFF  }
0xb5: {  	_ =	strace $0x90000048  }
0xb6: {  	_ =	sfence  }
0xb7: {  	s30 =	sld [smem:$0x0];
	_ =	sdelay $0x2  }
0xb8: {  	s31 =	sshll.u32 s1, $0xD;
	s1 =	sshrl.u32 s1, $0x2  }
0xb9: {  	s3 =	sand.u32 $0x4000, s31;
	s1 =	sadd.s32 s1, s30  }
0xba: {  	s0 =	sor.u32 s3, s0;
	s1 =	sshll.u32 s1, $0x11  }
0xbb: {  	s0 =	sor.u32 s1, s0  }
0xbc: {  	s0 =	sadd.s32 $0x8F2B, s0  }
0xbd: {  	[sflag:s0] =	ssyncadd.remote.s32 $0x1  }
0xbe: {  	_ =	sfence.sel $0xFFFF  }
0xbf: {  	[dreg:$0x0] =	wrdreg $0xFFFFFFFF;
	(pc) =	sbr.abs _section_cstart, $3  }
0xc0: {  	[dreg:$0x1] =	wrdreg $0xFFFFFFFF  }
0xc1: {  	_ =	task.clear_ibuf [dreg:s6], $0x2FFFF;
	_ =	strace $0x9FFFFFFF  }
0xc2: {  	(tm) =	ssettm $0x7FFFFFFF  }
0xc3: {  	_ =	shalt  }
tec
execute0_lowered:
.L_overlay_start_1:
0x0: {  	(tag) =	ssettag $0x1  }
0x1: {  	s6 =	rddreg [dreg:$0x0]  }
0x2: {  	s1 =	rddreg [dreg:$0x1];
	s2 =	srdreg.scid  }
0x3: {  	s0 =	rddreg [dreg:$0x2];
	s3 =	simm.s32 $0x0;
	s16 =	simm.s32 $0x80  }
0x4: {  	s17 =	simm.s32 $0x100;
	s18 =	simm.s32 $0x180;
	s7 =	sand.u32 $0x1, s2  }
0x5: {  	s19 =	simm.s32 $0x1;
	s2 =	stileid.u32;
	s4 =	smul.u32 $0x140000, s7  }
0x6: {  	s20 =	simm.s32 $0x50;
	s21 =	simm.s32 $0x2;
	s5 =	smul.u32 $0x14000, s2  }
0x7: {  	s22 =	simm.s32 $0x0;
	[smem:$0x7FF] =	sst s3;
	s8 =	smul.u32 $0x50000, s2  }
0x8: {  	s11 =	sadd.s32 $0x2600, s6;
	_ =	strace $0x80000047;
	s9 =	smul.u32 $0x28000, s7  }
0x9: {  	s12 =	smul.u32 $0x2800, s2;
	s7 =	ssub.s32 $0x2, s7;
	s14 =	sshll.u32 s2, $0x6  }
0xa: {  	s29 =	sshrl.u32 s7, $0x1;
	s14 =	sor.u32 $0x1C03, s14;
	s5 =	sadd.s32 s5, s4  }
0xb: {  	s4 =	sadd.s32 $0xC600, s6;
	s8 =	sshrl.u32 s8, $0x2;
	s9 =	sadd.s32 s12, s9  }
0xc: {  	s7 =	ssub.s32 s7, s29;
	s10 =	sshrl.u32 s5, $0x3;
	s5 =	sadd.s32 $0xEE00, s6  }
0xd: {  	s15 =	sadd.s32 s8, s1;
	s30 =	sshrl.u32 s9, $0x3;
	s7 =	smax.u32 s7, $0x1  }
0xe: {  	s31 =	sor.u32 $0xF0, s9;
	s12 =	sor.u32 $0xA0, s9;
	s9 =	sor.u32 $0x50, s9  }
0xf: {  	s6 =	sadd.s32 s10, s6;
	s8 =	sadd.s32 s30, s11;
	s10 =	sshrl.u32 s31, $0x3  }
0x10: {  	s12 =	sshrl.u32 s12, $0x3;
	s13 =	sshrl.u32 s9, $0x3;
	s15 =	sshrl.u32 s15, $0x3  }
0x11: {  	s6 =	sadd.s32 $0xF400, s6;
	s9 =	sadd.s32 s10, s11;
	s10 =	sadd.s32 s12, s11  }
0x12: {  	s11 =	sadd.s32 s13, s11;
	s12 =	simm.s32 $0x200;
	s13 =	simm.s32 $0x3  }
.LBB2_1:
0x13: {  	[tilespmem:s12], [sflag:$0x3] =	stream.linear.gather [hbm4b:s5+s3], $0x2800, $0x38;
	[tilespmem:$0x16A00] =	vst v63  }
0x14: {  	_ =	swait.ge [sflag:s13], $0x2800  }
0x15: {  	[sflag:s13] =	ssyncset.done $0x0  }
0x16: {  	[sflag:s13] =	ssyncadd.s32 $0xFFFFD800  }
0x17: {  	[spmem:s15], [sflag:s14] =	dma.local [hbm:s4], $0x2800  }
0x18: {  	_ =	swait.ge [sflag:s13], $0x2800  }
0x19: {  	[sflag:s13] =	ssyncset.done $0x0  }
0x1a: {  	[sflag:s13] =	ssyncadd.s32 $0xFFFFD800  }
0x1b: {  	s23 =	sadd.s32 $0x0, s8;
	[bflag:$0x0] =	sbarrier.arrive $0xFFFF  }
0x1c: {  	[tilespmem:s3], [sflag:$0x1] =	stream.linear.gather [hbm4b:s23+s3], $0x50, $0x38;
	[tilespmem:$0x16A00] =	vst v63  }
0x1d: {  	s29 =	sadd.s32 $0x0, s11  }
0x1e: {  	[tilespmem:s16], [sflag:$0x1] =	stream.linear.gather [hbm4b:s29+s3], $0x50, $0x38;
	[tilespmem:$0x16A00] =	vst v63  }
0x1f: {  	s30 =	sadd.s32 $0x0, s10  }
0x20: {  	[tilespmem:s17], [sflag:$0x1] =	stream.linear.gather [hbm4b:s30+s3], $0x50, $0x38;
	[tilespmem:$0x16A00] =	vst v63  }
0x21: {  	s31 =	sadd.s32 $0x0, s9  }
0x22: {  	[tilespmem:s18], [sflag:$0x1] =	stream.linear.gather [hbm4b:s31+s3], $0x50, $0x38;
	[tilespmem:$0x16A00] =	vst v63  }
0x23: {  	_ =	swait.ge [sflag:s19], $0x50  }
0x24: {  	[sflag:s19] =	ssyncset.done $0x0  }
0x25: {  	[sflag:s19] =	ssyncadd.s32 $0xFFFFFFB0  }
0x26: {  	_ =	swait.ge [sflag:s19], $0x50  }
0x27: {  	[sflag:s19] =	ssyncset.done $0x0  }
0x28: {  	[sflag:s19] =	ssyncadd.s32 $0xFFFFFFB0  }
0x29: {  	_ =	swait.ge [sflag:s19], $0x50  }
0x2a: {  	[sflag:s19] =	ssyncset.done $0x0  }
0x2b: {  	[sflag:s19] =	ssyncadd.s32 $0xFFFFFFB0  }
0x2c: {  	_ =	swait.ge [sflag:s19], $0x50  }
0x2d: {  	[sflag:s19] =	ssyncset.done $0x0  }
0x2e: {  	[sflag:s19] =	ssyncadd.s32 $0xFFFFFFB0  }
0x2f: {  	[spmem:s1] =	stream.indirect.scatter.add.f32 [tilespmem:s12], [sflag:$0x2], $0x80, s3, s20, $0xb8;
	[tilespmem:$0x16A00] =	vst v63  }
0x30: {  	_ = 	snop  }
0x31: {  	[spmem:s1] =	stream.indirect.scatter.add.f32 [tilespmem:s12], [sflag:$0x2], $0x80, s16, s20, $0xb8;
	[tilespmem:$0x16A00] =	vst v63  }
0x32: {  	_ = 	snop  }
0x33: {  	[spmem:s1] =	stream.indirect.scatter.add.f32 [tilespmem:s12], [sflag:$0x2], $0x80, s17, s20, $0xb8;
	[tilespmem:$0x16A00] =	vst v63  }
0x34: {  	_ = 	snop  }
0x35: {  	[spmem:s1] =	stream.indirect.scatter.add.f32 [tilespmem:s12], [sflag:$0x2], $0x80, s18, s20, $0xb8;
	[tilespmem:$0x16A00] =	vst v63  }
0x36: {  	_ =	swait.ge [sflag:s21], $0x2800  }
0x37: {  	[sflag:s21] =	ssyncset.done $0x0  }
0x38: {  	[sflag:s21] =	ssyncadd.s32 $0xFFFFD800  }
0x39: {  	_ =	swait.ge [sflag:s21], $0x2800  }
0x3a: {  	[sflag:s21] =	ssyncset.done $0x0  }
0x3b: {  	[sflag:s21] =	ssyncadd.s32 $0xFFFFD800  }
0x3c: {  	_ =	swait.ge [sflag:s21], $0x2800  }
0x3d: {  	[sflag:s21] =	ssyncset.done $0x0  }
0x3e: {  	[sflag:s21] =	ssyncadd.s32 $0xFFFFD800  }
0x3f: {  	_ =	swait.ge [sflag:s21], $0x2800  }
0x40: {  	s25 =	simm.s32 $0x50;
	s23 =	simm.s32 $0x28;
	[sflag:s21] =	ssyncset.done $0x0  }
.LBB2_2:
0x41: {  	s26 =	sadd.s32 s23, s8  }
0x42: {  	[sflag:s21] =	ssyncadd.s32 $0xFFFFD800;
	s28 =	smov.u32 s25;
	s24 =	sadd.s32 $0x28, s25  }
0x43: {  	[tilespmem:s3], [sflag:$0x1] =	stream.linear.gather [hbm4b:s26+s3], $0x50, $0x38;
	[tilespmem:$0x16A00] =	vst v63  }
0x44: {  	p0 =	sne.s32 s25, $0x4D8;
	s25 =	sadd.s32 s23, s11  }
0x45: {  	[tilespmem:s16], [sflag:$0x1] =	stream.linear.gather [hbm4b:s25+s3], $0x50, $0x38;
	[tilespmem:$0x16A00] =	vst v63  }
0x46: {  	s25 =	sadd.s32 s23, s10  }
0x47: {  	[tilespmem:s17], [sflag:$0x1] =	stream.linear.gather [hbm4b:s25+s3], $0x50, $0x38;
	[tilespmem:$0x16A00] =	vst v63  }
0x48: {  	s25 =	sadd.s32 s23, s9;
	s23 =	smov.u32 s28  }
0x49: {  	[tilespmem:s18], [sflag:$0x1] =	stream.linear.gather [hbm4b:s25+s3], $0x50, $0x38;
	[tilespmem:$0x16A00] =	vst v63  }
0x4a: {  	_ =	swait.ge [sflag:s19], $0x50  }
0x4b: {  	[sflag:s19] =	ssyncset.done $0x0  }
0x4c: {  	[sflag:s19] =	ssyncadd.s32 $0xFFFFFFB0  }
0x4d: {  	_ =	swait.ge [sflag:s19], $0x50  }
0x4e: {  	[sflag:s19] =	ssyncset.done $0x0  }
0x4f: {  	[sflag:s19] =	ssyncadd.s32 $0xFFFFFFB0  }
0x50: {  	_ =	swait.ge [sflag:s19], $0x50  }
0x51: {  	[sflag:s19] =	ssyncset.done $0x0  }
0x52: {  	[sflag:s19] =	ssyncadd.s32 $0xFFFFFFB0  }
0x53: {  	_ =	swait.ge [sflag:s19], $0x50  }
0x54: {  	[sflag:s19] =	ssyncset.done $0x0  }
0x55: {  	[sflag:s19] =	ssyncadd.s32 $0xFFFFFFB0  }
0x56: {  	[spmem:s1] =	stream.indirect.scatter.add.f32 [tilespmem:s12], [sflag:$0x2], $0x80, s3, s20, $0xb8;
	[tilespmem:$0x16A00] =	vst v63  }
0x57: {  	_ = 	snop  }
0x58: {  	[spmem:s1] =	stream.indirect.scatter.add.f32 [tilespmem:s12], [sflag:$0x2], $0x80, s16, s20, $0xb8;
	[tilespmem:$0x16A00] =	vst v63  }
0x59: {  	_ = 	snop  }
0x5a: {  	[spmem:s1] =	stream.indirect.scatter.add.f32 [tilespmem:s12], [sflag:$0x2], $0x80, s17, s20, $0xb8;
	[tilespmem:$0x16A00] =	vst v63  }
0x5b: {  	_ = 	snop  }
0x5c: {  	[spmem:s1] =	stream.indirect.scatter.add.f32 [tilespmem:s12], [sflag:$0x2], $0x80, s18, s20, $0xb8;
	[tilespmem:$0x16A00] =	vst v63  }
0x5d: {  	_ =	swait.ge [sflag:s21], $0x2800  }
0x5e: {  	[sflag:s21] =	ssyncset.done $0x0  }
0x5f: {  	[sflag:s21] =	ssyncadd.s32 $0xFFFFD800  }
0x60: {  	_ =	swait.ge [sflag:s21], $0x2800  }
0x61: {  	[sflag:s21] =	ssyncset.done $0x0  }
0x62: {  	[sflag:s21] =	ssyncadd.s32 $0xFFFFD800  }
.Ltmp0:
0x63: {  	_ =	swait.ge [sflag:s21], $0x2800;
	(pc) =	sbr.rel @p0 .LBB2_2-.Ltmp0, $4  }
0x64: {  	[sflag:s21] =	ssyncset.done $0x0  }
0x65: {  	[sflag:s21] =	ssyncadd.s32 $0xFFFFD800  }
0x66: {  	_ =	swait.ge [sflag:s21], $0x2800  }
0x67: {  	s25 =	smov.u32 s24;
	[sflag:s21] =	ssyncset.done $0x0  }
0x68: {  	s24 =	sadd.s32 s23, s8;
	[sflag:s21] =	ssyncadd.s32 $0xFFFFD800  }
0x69: {  	[tilespmem:s3], [sflag:$0x1] =	stream.linear.gather [hbm4b:s24+s3], $0x50, $0x38;
	[tilespmem:$0x16A00] =	vst v63  }
0x6a: {  	s29 =	sadd.s32 s23, s11  }
0x6b: {  	[tilespmem:s16], [sflag:$0x1] =	stream.linear.gather [hbm4b:s29+s3], $0x50, $0x38;
	[tilespmem:$0x16A00] =	vst v63  }
0x6c: {  	s30 =	sadd.s32 s23, s10  }
0x6d: {  	[tilespmem:s17], [sflag:$0x1] =	stream.linear.gather [hbm4b:s30+s3], $0x50, $0x38;
	[tilespmem:$0x16A00] =	vst v63  }
0x6e: {  	s31 =	sadd.s32 s23, s9  }
0x6f: {  	[tilespmem:s18], [sflag:$0x1] =	stream.linear.gather [hbm4b:s31+s3], $0x50, $0x38;
	[tilespmem:$0x16A00] =	vst v63  }
0x70: {  	_ =	swait.ge [sflag:s19], $0x50  }
0x71: {  	[sflag:s19] =	ssyncset.done $0x0  }
0x72: {  	[sflag:s19] =	ssyncadd.s32 $0xFFFFFFB0  }
0x73: {  	_ =	swait.ge [sflag:s19], $0x50  }
0x74: {  	[sflag:s19] =	ssyncset.done $0x0  }
0x75: {  	[sflag:s19] =	ssyncadd.s32 $0xFFFFFFB0  }
0x76: {  	_ =	swait.ge [sflag:s19], $0x50  }
0x77: {  	[sflag:s19] =	ssyncset.done $0x0  }
0x78: {  	[sflag:s19] =	ssyncadd.s32 $0xFFFFFFB0  }
0x79: {  	_ =	swait.ge [sflag:s19], $0x50  }
0x7a: {  	[sflag:s19] =	ssyncset.done $0x0  }
0x7b: {  	[sflag:s19] =	ssyncadd.s32 $0xFFFFFFB0  }
0x7c: {  	[spmem:s1] =	stream.indirect.scatter.add.f32 [tilespmem:s12], [sflag:$0x2], $0x80, s3, s20, $0xb8;
	[tilespmem:$0x16A00] =	vst v63  }
0x7d: {  	_ = 	snop  }
0x7e: {  	[spmem:s1] =	stream.indirect.scatter.add.f32 [tilespmem:s12], [sflag:$0x2], $0x80, s16, s20, $0xb8;
	[tilespmem:$0x16A00] =	vst v63  }
0x7f: {  	_ = 	snop  }
0x80: {  	[spmem:s1] =	stream.indirect.scatter.add.f32 [tilespmem:s12], [sflag:$0x2], $0x80, s17, s20, $0xb8;
	[tilespmem:$0x16A00] =	vst v63  }
0x81: {  	_ = 	snop  }
0x82: {  	[spmem:s1] =	stream.indirect.scatter.add.f32 [tilespmem:s12], [sflag:$0x2], $0x80, s18, s20, $0xb8;
	[tilespmem:$0x16A00] =	vst v63  }
0x83: {  	_ =	swait.ge [sflag:s21], $0x2800  }
0x84: {  	[sflag:s21] =	ssyncset.done $0x0  }
0x85: {  	[sflag:s21] =	ssyncadd.s32 $0xFFFFD800  }
0x86: {  	_ =	swait.ge [sflag:s21], $0x2800  }
0x87: {  	[sflag:s21] =	ssyncset.done $0x0  }
0x88: {  	[sflag:s21] =	ssyncadd.s32 $0xFFFFD800  }
0x89: {  	_ =	swait.ge [sflag:s21], $0x2800  }
0x8a: {  	[sflag:s21] =	ssyncset.done $0x0  }
0x8b: {  	[sflag:s21] =	ssyncadd.s32 $0xFFFFD800  }
0x8c: {  	_ =	swait.ge [sflag:s21], $0x2800  }
0x8d: {  	s22 =	sadd.s32 $0x1, s22;
	[sflag:s21] =	ssyncset.done $0x0  }
0x8e: {  	p0 =	sne.s32 s22, s7;
	[sflag:s21] =	ssyncadd.s32 $0xFFFFD800  }
.Ltmp1:
0x8f: {  	[bflag:$0x0] =	sbarrier.arrive $0xFFFF;
	(pc) =	sbr.rel @p0 .LBB2_1-.Ltmp1, $4  }
0x90: {  	[hbm:s6], [sflag:s14] =	dma.local [spmem:s15], $0x2800  }
0x91: {  	_ =	swait.ge [sflag:s13], $0x2800  }
0x92: {  	[sflag:s13] =	ssyncset.done $0x0  }
0x93: {  	[sflag:s13] =	ssyncadd.s32 $0xFFFFD800  }
0x94: {  	_ =	sfence.sel $0x180000  }
0x95: {  	[bflag:$0x0] =	sbarrier.arrive $0xFFFF  }
0x96: {  	p0 =	sne.s32 s2, $0x0;
	_ =	strace $0x90000047  }
0x97: {  	s0 =	sadd.s32 @!p0 $0x100000, s0;
	[bflag:$0x2] =	sbarrier.arrive $0xFFFF  }
0x98: {  	[sflag:s0] =	ssyncadd.tile.s32 @!p0 $0x1;
	_ =	shalt  }
.Lfunc_end2:
_tile_overlayer_lowered:
.L_overlay_start_2:
0x99: {  	(tag) =	ssettag $0x2  }
0x9a: {  	s0 =	rddreg [dreg:$0x0];
	s2 =	stileid.u32  }
0x9b: {  	s1 =	rddreg [dreg:$0x1];
	p0 =	sne.s32 s2, $0x0  }
0x9c: {  	s3 =	rddreg [dreg:$0x2];
	[bflag:$0x3] =	sbarrier.arrive $0xFFFF;
	s2 =	simm.s32 @!p0 $0x1C03  }
0x9d: {  	[timem:s3], [sflag:s2] =	dma.local @!p0 [hbm:s0], s1  }
0x9e: {  	s0 =	simm.s32 @!p0 $0x3  }
0x9f: {  	_ =	swait.ge @!p0 [sflag:s0], s1  }
0xa0: {  	s1 =	ssub.s32 @!p0 $0x0, s1;
	[sflag:s0] =	ssyncset.done @!p0 $0x0  }
0xa1: {  	[sflag:s0] =	ssyncadd.s32 @!p0 s1  }
0xa2: {  	[bflag:$0x3] =	sbarrier.arrive $0xFFFF  }
0xa3: {  	_ =	shalt  }

</sc_bundles>
